<compile_context>
chip_gen: v7x
topology: tpu7x:2x2x1
jax: 0.10.2.dev20260603
libtpu: 0.0.44.dev20260713+nightly
codegen_flags: <defaults>
</compile_context>

<pallas_src>
import functools

import jax
import jax.numpy as jnp
from jax import lax
from jax.experimental import pallas as pl
from jax.experimental.pallas import tpu as pltpu
from jax.experimental.pallas import tpu_sc as plsc

VOCAB = 100000
EMBED_DIM = 16
BATCH = 1024
HIST = 200

_C0 = 128
_C1 = HIST - _C0


def _sc_gather_mean(x, emb, row0, nrows):
    info = plsc.get_sparse_core_info()
    nc, ns = info.num_cores, info.num_subcores
    nw = nc * ns
    bpw = nrows // nw

    mesh = plsc.VectorSubcoreMesh(core_axis_name="c", subcore_axis_name="s")

    @functools.partial(
        pl.kernel,
        mesh=mesh,
        out_type=jax.ShapeDtypeStruct((nrows, EMBED_DIM), jnp.float32),
        scratch_types=[
            pltpu.VMEM((bpw * HIST,), jnp.int32),
            pltpu.VMEM((6, HIST, EMBED_DIM), jnp.float32),
            pltpu.VMEM((bpw, EMBED_DIM), jnp.float32),
            pltpu.SemaphoreType.DMA((6,)),
        ],
        compiler_params=pltpu.CompilerParams(use_tc_tiling_on_sc=False),
    )
    def sc_kernel(x_hbm, emb_hbm, h_hbm, xv, rows, hv, sems):
        wid = lax.axis_index("s") * nc + lax.axis_index("c")
        base = wid * bpw
        pltpu.sync_copy(x_hbm.at[pl.ds((row0 + base) * HIST, bpw * HIST)], xv)

        def gather_row(r, s):
            pltpu.make_async_copy(
                emb_hbm.at[xv.at[pl.ds(r * HIST, _C0)]],
                rows.at[s, pl.ds(0, _C0)], sems.at[s]).start()
            pltpu.make_async_copy(
                emb_hbm.at[xv.at[pl.ds(r * HIST + _C0, _C1)]],
                rows.at[s, pl.ds(_C0, _C1)], sems.at[s]).start()

        def wait_row(r, s):
            pltpu.make_async_copy(
                emb_hbm.at[xv.at[pl.ds(r * HIST, _C0)]],
                rows.at[s, pl.ds(0, _C0)], sems.at[s]).wait()
            pltpu.make_async_copy(
                emb_hbm.at[xv.at[pl.ds(r * HIST + _C0, _C1)]],
                rows.at[s, pl.ds(_C0, _C1)], sems.at[s]).wait()

        for r in range(5):
            gather_row(r, r)

        def row_body(i, carry):
            slot = lax.rem(i, 6)

            @pl.when(i + 5 < bpw)
            def _prefetch():
                gather_row(i + 5, lax.rem(i + 5, 6))

            wait_row(i, slot)

            def red(j, acc):
                a = acc
                for u in range(8):
                    a = a + rows[slot, 8 * j + u]
                return a

            acc = lax.fori_loop(0, HIST // 8, red, jnp.zeros((EMBED_DIM,), jnp.float32))
            hv[i] = acc * jnp.float32(1.0 / HIST)
            return carry

        lax.fori_loop(0, bpw, row_body, 0)
        pltpu.sync_copy(hv, h_hbm.at[pl.ds(base, bpw)])

    return sc_kernel(x, emb)


def _tc_matmul(h, W, b2d):
    mb = 8
    nsteps = BATCH // mb
    nbuf = 4

    def body(h_ref, w_ref, b_ref, o_ref, buf, sems):
        j = pl.program_id(0)
        slot = lax.rem(j, nbuf)

        @pl.when(j >= nbuf)
        def _wait_old():
            pltpu.make_async_copy(
                buf.at[slot], o_ref.at[pl.ds((j - nbuf) * mb, mb)], sems.at[slot]
            ).wait()

        buf[slot] = (
            jnp.dot(h_ref[...], w_ref[...], preferred_element_type=jnp.float32)
            + b_ref[...]
        )
        pltpu.make_async_copy(
            buf.at[slot], o_ref.at[pl.ds(j * mb, mb)], sems.at[slot]
        ).start()

        @pl.when(j == nsteps - 1)
        def _drain():
            for k in range(1, nbuf + 1):
                s = lax.rem(j - nbuf + k + nbuf, nbuf)
                pltpu.make_async_copy(
                    buf.at[s],
                    o_ref.at[pl.ds((j - nbuf + k) * mb, mb)],
                    sems.at[s],
                ).wait()

    return pl.pallas_call(
        body,
        grid=(nsteps,),
        in_specs=[
            pl.BlockSpec((mb, EMBED_DIM), lambda j: (j, 0)),
            pl.BlockSpec((EMBED_DIM, VOCAB), lambda j: (0, 0)),
            pl.BlockSpec((1, VOCAB), lambda j: (0, 0)),
        ],
        out_specs=pl.BlockSpec(memory_space=pl.ANY),
        out_shape=jax.ShapeDtypeStruct((BATCH, VOCAB), jnp.float32),
        scratch_shapes=[
            pltpu.VMEM((nbuf, mb, VOCAB), jnp.float32),
            pltpu.SemaphoreType.DMA((nbuf,)),
        ],
    )(h, W, b2d)


def kernel(x, emb, W, b):
    h = _sc_gather_mean(x.reshape(BATCH * HIST), emb, 0, BATCH)
    return _tc_matmul(h, W, b.reshape(1, VOCAB))

# --- scband reference (transcript-rebuilt; emitter-appended) ---
"""Pipeline reference for scband-bigram-model-47863115547053 (READ-ONLY COPY).

The authoritative reference and input builder live on the scoring server;
editing this copy changes nothing except your own understanding.
"""

import jax, jax.numpy as jnp
import numpy as np

VOCAB = 100000
EMBED_DIM = 16
BATCH = 1024
HIST = 200

def setup_inputs(seed: int = 0) -> dict:
    key = jax.random.key(seed)
    k1, k2, k3, k4 = jax.random.split(key, 4)
    x = jax.random.randint(k1, (BATCH, HIST), 0, VOCAB, dtype=jnp.int64 if jax.config.jax_enable_x64 else jnp.int32).astype(jnp.int32)
    emb = jax.random.normal(k2, (VOCAB, EMBED_DIM), dtype=jnp.float32)
    W = jax.random.normal(k3, (EMBED_DIM, VOCAB), dtype=jnp.float32) * (1.0 / np.sqrt(EMBED_DIM))
    b = jax.random.normal(k4, (VOCAB,), dtype=jnp.float32) * 0.01
    return {"x": x, "emb": emb, "W": W, "b": b}

def reference(x, emb, W, b):
    # embedding gather: [B, L, D]
    e = jnp.take(emb, x, axis=0)
    # mean over sequence dim
    h = e.mean(axis=1)
    # linear projection to vocab
    out = h @ W + b
    return out

if __name__ == "__main__":
    import jax
    _d = setup_inputs()
    print(jax.jit(kernel)(*tuple(_d.values())))

</pallas_src>

<mosaic_0001>
#map = affine_map<(d0, d1) -> (0)>
#map1 = affine_map<(d0, d1) -> (0, 0)>
module attributes {stable_mosaic.version = 14 : i64} {
  func.func @sc_kernel(%arg0: i32, %arg1: i32, %arg2: memref<204800xi32, #tpu.memory_space<hbm>>, %arg3: memref<100000x16xf32, #tpu.memory_space<hbm>>, %arg4: memref<1024x16xf32, #tpu.memory_space<hbm>>, %arg5: memref<6400xi32, #tpu.memory_space<vmem>>, %arg6: memref<6x200x16xf32, #tpu.memory_space<vmem>>, %arg7: memref<32x16xf32, #tpu.memory_space<vmem>>, %arg8: memref<6x!tpu.dma_semaphore, #tpu.memory_space<semaphore_mem>>) attributes {dimension_semantics = [#tpu.dimension_semantics<core_parallel>, #tpu.dimension_semantics<subcore_parallel>], iteration_bounds = array<i64: 2, 16>, scalar_prefetch = 0 : i64, scratch_operands = 4 : i64, tpu.core_type = #tpu.core_type<sc_vector_subcore>, window_params = [{transform_indices = #map}, {transform_indices = #map1}, {transform_indices = #map1}]} {
    %mul3A = arith.constant 2 : i32
    %mul3A_0 = arith.muli %arg1, %mul3A : i32
    %add3A = arith.addi %mul3A_0, %arg0 : i32
    %mul3A_1 = arith.constant 32 : i32
    %mul3A_2 = arith.muli %add3A, %mul3A_1 : i32
    %add3A_3 = arith.constant 0 : i32
    %add3A_4 = arith.addi %add3A_3, %mul3A_2 : i32
    %mul3A_5 = arith.constant 200 : i32
    %mul3A_6 = arith.muli %add3A_4, %mul3A_5 : i32
    "tpu.region"() ({
      %run_scoped3A = tpu.sem_alloc : memref<!tpu.dma_semaphore, #tpu.memory_space<semaphore_mem>>
      %dma_start3A_141 = tpu.memref_slice %arg2[%mul3A_6] : memref<204800xi32, #tpu.memory_space<hbm>> -> memref<6400xi32, #tpu.memory_space<hbm>>
      %dma_start3A_142 = tpu.memref_slice %arg2[%mul3A_6] : memref<204800xi32, #tpu.memory_space<hbm>> -> memref<6400xi32, #tpu.memory_space<hbm>>
      tpu.enqueue_dma source(%dma_start3A_142 : memref<6400xi32, #tpu.memory_space<hbm>>) target(%arg5 : memref<6400xi32, #tpu.memory_space<vmem>>) target_semaphore(%run_scoped3A : memref<!tpu.dma_semaphore, #tpu.memory_space<semaphore_mem>>)
      %dma_wait3A = tpu.memref_slice %arg2[%mul3A_6] : memref<204800xi32, #tpu.memory_space<hbm>> -> memref<6400xi32, #tpu.memory_space<hbm>>
      %dma_wait3A_143 = tpu.memref_slice %arg2[%mul3A_6] : memref<204800xi32, #tpu.memory_space<hbm>> -> memref<6400xi32, #tpu.memory_space<hbm>>
      tpu.wait_dma2 semaphore(%run_scoped3A : memref<!tpu.dma_semaphore, #tpu.memory_space<semaphore_mem>>) src(%dma_wait3A_143 : memref<6400xi32, #tpu.memory_space<hbm>>) dst(%arg5 : memref<6400xi32, #tpu.memory_space<vmem>>)
      tpu.yield
    }) : () -> ()
    %dma_start3A = arith.constant 0 : i32
    %dma_start3A_7 = arith.constant 0 : i32
    %dma_start3A_8 = arith.constant 0 : i32
    %dma_start3A_9 = arith.constant 0 : i32
    %dma_start3A_10 = tpu.memref_slice %arg6[%dma_start3A, %dma_start3A_8, %dma_start3A_9] : memref<6x200x16xf32, #tpu.memory_space<vmem>> -> memref<1x128x16xf32, #tpu.memory_space<vmem>>
    %dma_start3A_11 = tpu.memref_squeeze %dma_start3A_10 : memref<1x128x16xf32, #tpu.memory_space<vmem>> -> memref<128x16xf32, #tpu.memory_space<vmem>>
    %dma_start3A_12 = arith.constant 0 : i32
    %dma_start3A_13 = tpu.memref_slice %arg5[%dma_start3A_12] : memref<6400xi32, #tpu.memory_space<vmem>> -> memref<128xi32, #tpu.memory_space<vmem>>
    %dma_start3A_14 = arith.constant 0 : i32
    %dma_start3A_15 = arith.constant 0 : i32
    %dma_start3A_16 = tpu.memref_slice %arg3[%dma_start3A_14, %dma_start3A_15] : memref<100000x16xf32, #tpu.memory_space<hbm>> -> memref<100000x16xf32, #tpu.memory_space<hbm>>
    %dma_start3A_17 = tpu.memref_slice %arg8[%dma_start3A_7] : memref<6x!tpu.dma_semaphore, #tpu.memory_space<semaphore_mem>> -> memref<1x!tpu.dma_semaphore, #tpu.memory_space<semaphore_mem>>
    %dma_start3A_18 = tpu.memref_squeeze %dma_start3A_17 : memref<1x!tpu.dma_semaphore, #tpu.memory_space<semaphore_mem>> -> memref<!tpu.dma_semaphore, #tpu.memory_space<semaphore_mem>>
    tpu.enqueue_indirect_dma source(%dma_start3A_16 : memref<100000x16xf32, #tpu.memory_space<hbm>>) target(%dma_start3A_11 : memref<128x16xf32, #tpu.memory_space<vmem>>) offsets(%dma_start3A_13 : memref<128xi32, #tpu.memory_space<vmem>>) semaphore(%dma_start3A_18 : memref<!tpu.dma_semaphore, #tpu.memory_space<semaphore_mem>>)
    %dma_start3A_19 = arith.constant 0 : i32
    %dma_start3A_20 = arith.constant 0 : i32
    %dma_start3A_21 = arith.constant 128 : i32
    %dma_start3A_22 = arith.constant 0 : i32
    %dma_start3A_23 = tpu.memref_slice %arg6[%dma_start3A_19, %dma_start3A_21, %dma_start3A_22] : memref<6x200x16xf32, #tpu.memory_space<vmem>> -> memref<1x72x16xf32, #tpu.memory_space<vmem>>
    %dma_start3A_24 = tpu.memref_squeeze %dma_start3A_23 : memref<1x72x16xf32, #tpu.memory_space<vmem>> -> memref<72x16xf32, #tpu.memory_space<vmem>>
    %dma_start3A_25 = arith.constant 128 : i32
    %dma_start3A_26 = tpu.memref_slice %arg5[%dma_start3A_25] : memref<6400xi32, #tpu.memory_space<vmem>> -> memref<72xi32, #tpu.memory_space<vmem>>
    %dma_start3A_27 = arith.constant 0 : i32
    %dma_start3A_28 = arith.constant 0 : i32
    %dma_start3A_29 = tpu.memref_slice %arg3[%dma_start3A_27, %dma_start3A_28] : memref<100000x16xf32, #tpu.memory_space<hbm>> -> memref<100000x16xf32, #tpu.memory_space<hbm>>
    %dma_start3A_30 = tpu.memref_slice %arg8[%dma_start3A_20] : memref<6x!tpu.dma_semaphore, #tpu.memory_space<semaphore_mem>> -> memref<1x!tpu.dma_semaphore, #tpu.memory_space<semaphore_mem>>
    %dma_start3A_31 = tpu.memref_squeeze %dma_start3A_30 : memref<1x!tpu.dma_semaphore, #tpu.memory_space<semaphore_mem>> -> memref<!tpu.dma_semaphore, #tpu.memory_space<semaphore_mem>>
    tpu.enqueue_indirect_dma source(%dma_start3A_29 : memref<100000x16xf32, #tpu.memory_space<hbm>>) target(%dma_start3A_24 : memref<72x16xf32, #tpu.memory_space<vmem>>) offsets(%dma_start3A_26 : memref<72xi32, #tpu.memory_space<vmem>>) semaphore(%dma_start3A_31 : memref<!tpu.dma_semaphore, #tpu.memory_space<semaphore_mem>>)
    %dma_start3A_32 = arith.constant 1 : i32
    %dma_start3A_33 = arith.constant 1 : i32
    %dma_start3A_34 = arith.constant 0 : i32
    %dma_start3A_35 = arith.constant 0 : i32
    %dma_start3A_36 = tpu.memref_slice %arg6[%dma_start3A_32, %dma_start3A_34, %dma_start3A_35] : memref<6x200x16xf32, #tpu.memory_space<vmem>> -> memref<1x128x16xf32, #tpu.memory_space<vmem>>
    %dma_start3A_37 = tpu.memref_squeeze %dma_start3A_36 : memref<1x128x16xf32, #tpu.memory_space<vmem>> -> memref<128x16xf32, #tpu.memory_space<vmem>>
    %dma_start3A_38 = arith.constant 200 : i32
    %dma_start3A_39 = tpu.memref_slice %arg5[%dma_start3A_38] : memref<6400xi32, #tpu.memory_space<vmem>> -> memref<128xi32, #tpu.memory_space<vmem>>
    %dma_start3A_40 = arith.constant 0 : i32
    %dma_start3A_41 = arith.constant 0 : i32
    %dma_start3A_42 = tpu.memref_slice %arg3[%dma_start3A_40, %dma_start3A_41] : memref<100000x16xf32, #tpu.memory_space<hbm>> -> memref<100000x16xf32, #tpu.memory_space<hbm>>
    %dma_start3A_43 = tpu.memref_slice %arg8[%dma_start3A_33] : memref<6x!tpu.dma_semaphore, #tpu.memory_space<semaphore_mem>> -> memref<1x!tpu.dma_semaphore, #tpu.memory_space<semaphore_mem>>
    %dma_start3A_44 = tpu.memref_squeeze %dma_start3A_43 : memref<1x!tpu.dma_semaphore, #tpu.memory_space<semaphore_mem>> -> memref<!tpu.dma_semaphore, #tpu.memory_space<semaphore_mem>>
    tpu.enqueue_indirect_dma source(%dma_start3A_42 : memref<100000x16xf32, #tpu.memory_space<hbm>>) target(%dma_start3A_37 : memref<128x16xf32, #tpu.memory_space<vmem>>) offsets(%dma_start3A_39 : memref<128xi32, #tpu.memory_space<vmem>>) semaphore(%dma_start3A_44 : memref<!tpu.dma_semaphore, #tpu.memory_space<semaphore_mem>>)
    %dma_start3A_45 = arith.constant 1 : i32
    %dma_start3A_46 = arith.constant 1 : i32
    %dma_start3A_47 = arith.constant 128 : i32
    %dma_start3A_48 = arith.constant 0 : i32
    %dma_start3A_49 = tpu.memref_slice %arg6[%dma_start3A_45, %dma_start3A_47, %dma_start3A_48] : memref<6x200x16xf32, #tpu.memory_space<vmem>> -> memref<1x72x16xf32, #tpu.memory_space<vmem>>
    %dma_start3A_50 = tpu.memref_squeeze %dma_start3A_49 : memref<1x72x16xf32, #tpu.memory_space<vmem>> -> memref<72x16xf32, #tpu.memory_space<vmem>>
    %dma_start3A_51 = arith.constant 328 : i32
    %dma_start3A_52 = tpu.memref_slice %arg5[%dma_start3A_51] : memref<6400xi32, #tpu.memory_space<vmem>> -> memref<72xi32, #tpu.memory_space<vmem>>
    %dma_start3A_53 = arith.constant 0 : i32
    %dma_start3A_54 = arith.constant 0 : i32
    %dma_start3A_55 = tpu.memref_slice %arg3[%dma_start3A_53, %dma_start3A_54] : memref<100000x16xf32, #tpu.memory_space<hbm>> -> memref<100000x16xf32, #tpu.memory_space<hbm>>
    %dma_start3A_56 = tpu.memref_slice %arg8[%dma_start3A_46] : memref<6x!tpu.dma_semaphore, #tpu.memory_space<semaphore_mem>> -> memref<1x!tpu.dma_semaphore, #tpu.memory_space<semaphore_mem>>
    %dma_start3A_57 = tpu.memref_squeeze %dma_start3A_56 : memref<1x!tpu.dma_semaphore, #tpu.memory_space<semaphore_mem>> -> memref<!tpu.dma_semaphore, #tpu.memory_space<semaphore_mem>>
    tpu.enqueue_indirect_dma source(%dma_start3A_55 : memref<100000x16xf32, #tpu.memory_space<hbm>>) target(%dma_start3A_50 : memref<72x16xf32, #tpu.memory_space<vmem>>) offsets(%dma_start3A_52 : memref<72xi32, #tpu.memory_space<vmem>>) semaphore(%dma_start3A_57 : memref<!tpu.dma_semaphore, #tpu.memory_space<semaphore_mem>>)
    %dma_start3A_58 = arith.constant 2 : i32
    %dma_start3A_59 = arith.constant 2 : i32
    %dma_start3A_60 = arith.constant 0 : i32
    %dma_start3A_61 = arith.constant 0 : i32
    %dma_start3A_62 = tpu.memref_slice %arg6[%dma_start3A_58, %dma_start3A_60, %dma_start3A_61] : memref<6x200x16xf32, #tpu.memory_space<vmem>> -> memref<1x128x16xf32, #tpu.memory_space<vmem>>
    %dma_start3A_63 = tpu.memref_squeeze %dma_start3A_62 : memref<1x128x16xf32, #tpu.memory_space<vmem>> -> memref<128x16xf32, #tpu.memory_space<vmem>>
    %dma_start3A_64 = arith.constant 400 : i32
    %dma_start3A_65 = tpu.memref_slice %arg5[%dma_start3A_64] : memref<6400xi32, #tpu.memory_space<vmem>> -> memref<128xi32, #tpu.memory_space<vmem>>
    %dma_start3A_66 = arith.constant 0 : i32
    %dma_start3A_67 = arith.constant 0 : i32
    %dma_start3A_68 = tpu.memref_slice %arg3[%dma_start3A_66, %dma_start3A_67] : memref<100000x16xf32, #tpu.memory_space<hbm>> -> memref<100000x16xf32, #tpu.memory_space<hbm>>
    %dma_start3A_69 = tpu.memref_slice %arg8[%dma_start3A_59] : memref<6x!tpu.dma_semaphore, #tpu.memory_space<semaphore_mem>> -> memref<1x!tpu.dma_semaphore, #tpu.memory_space<semaphore_mem>>
    %dma_start3A_70 = tpu.memref_squeeze %dma_start3A_69 : memref<1x!tpu.dma_semaphore, #tpu.memory_space<semaphore_mem>> -> memref<!tpu.dma_semaphore, #tpu.memory_space<semaphore_mem>>
    tpu.enqueue_indirect_dma source(%dma_start3A_68 : memref<100000x16xf32, #tpu.memory_space<hbm>>) target(%dma_start3A_63 : memref<128x16xf32, #tpu.memory_space<vmem>>) offsets(%dma_start3A_65 : memref<128xi32, #tpu.memory_space<vmem>>) semaphore(%dma_start3A_70 : memref<!tpu.dma_semaphore, #tpu.memory_space<semaphore_mem>>)
    %dma_start3A_71 = arith.constant 2 : i32
    %dma_start3A_72 = arith.constant 2 : i32
    %dma_start3A_73 = arith.constant 128 : i32
    %dma_start3A_74 = arith.constant 0 : i32
    %dma_start3A_75 = tpu.memref_slice %arg6[%dma_start3A_71, %dma_start3A_73, %dma_start3A_74] : memref<6x200x16xf32, #tpu.memory_space<vmem>> -> memref<1x72x16xf32, #tpu.memory_space<vmem>>
    %dma_start3A_76 = tpu.memref_squeeze %dma_start3A_75 : memref<1x72x16xf32, #tpu.memory_space<vmem>> -> memref<72x16xf32, #tpu.memory_space<vmem>>
    %dma_start3A_77 = arith.constant 528 : i32
    %dma_start3A_78 = tpu.memref_slice %arg5[%dma_start3A_77] : memref<6400xi32, #tpu.memory_space<vmem>> -> memref<72xi32, #tpu.memory_space<vmem>>
    %dma_start3A_79 = arith.constant 0 : i32
    %dma_start3A_80 = arith.constant 0 : i32
    %dma_start3A_81 = tpu.memref_slice %arg3[%dma_start3A_79, %dma_start3A_80] : memref<100000x16xf32, #tpu.memory_space<hbm>> -> memref<100000x16xf32, #tpu.memory_space<hbm>>
    %dma_start3A_82 = tpu.memref_slice %arg8[%dma_start3A_72] : memref<6x!tpu.dma_semaphore, #tpu.memory_space<semaphore_mem>> -> memref<1x!tpu.dma_semaphore, #tpu.memory_space<semaphore_mem>>
    %dma_start3A_83 = tpu.memref_squeeze %dma_start3A_82 : memref<1x!tpu.dma_semaphore, #tpu.memory_space<semaphore_mem>> -> memref<!tpu.dma_semaphore, #tpu.memory_space<semaphore_mem>>
    tpu.enqueue_indirect_dma source(%dma_start3A_81 : memref<100000x16xf32, #tpu.memory_space<hbm>>) target(%dma_start3A_76 : memref<72x16xf32, #tpu.memory_space<vmem>>) offsets(%dma_start3A_78 : memref<72xi32, #tpu.memory_space<vmem>>) semaphore(%dma_start3A_83 : memref<!tpu.dma_semaphore, #tpu.memory_space<semaphore_mem>>)
    %dma_start3A_84 = arith.constant 3 : i32
    %dma_start3A_85 = arith.constant 3 : i32
    %dma_start3A_86 = arith.constant 0 : i32
    %dma_start3A_87 = arith.constant 0 : i32
    %dma_start3A_88 = tpu.memref_slice %arg6[%dma_start3A_84, %dma_start3A_86, %dma_start3A_87] : memref<6x200x16xf32, #tpu.memory_space<vmem>> -> memref<1x128x16xf32, #tpu.memory_space<vmem>>
    %dma_start3A_89 = tpu.memref_squeeze %dma_start3A_88 : memref<1x128x16xf32, #tpu.memory_space<vmem>> -> memref<128x16xf32, #tpu.memory_space<vmem>>
    %dma_start3A_90 = arith.constant 600 : i32
    %dma_start3A_91 = tpu.memref_slice %arg5[%dma_start3A_90] : memref<6400xi32, #tpu.memory_space<vmem>> -> memref<128xi32, #tpu.memory_space<vmem>>
    %dma_start3A_92 = arith.constant 0 : i32
    %dma_start3A_93 = arith.constant 0 : i32
    %dma_start3A_94 = tpu.memref_slice %arg3[%dma_start3A_92, %dma_start3A_93] : memref<100000x16xf32, #tpu.memory_space<hbm>> -> memref<100000x16xf32, #tpu.memory_space<hbm>>
    %dma_start3A_95 = tpu.memref_slice %arg8[%dma_start3A_85] : memref<6x!tpu.dma_semaphore, #tpu.memory_space<semaphore_mem>> -> memref<1x!tpu.dma_semaphore, #tpu.memory_space<semaphore_mem>>
    %dma_start3A_96 = tpu.memref_squeeze %dma_start3A_95 : memref<1x!tpu.dma_semaphore, #tpu.memory_space<semaphore_mem>> -> memref<!tpu.dma_semaphore, #tpu.memory_space<semaphore_mem>>
    tpu.enqueue_indirect_dma source(%dma_start3A_94 : memref<100000x16xf32, #tpu.memory_space<hbm>>) target(%dma_start3A_89 : memref<128x16xf32, #tpu.memory_space<vmem>>) offsets(%dma_start3A_91 : memref<128xi32, #tpu.memory_space<vmem>>) semaphore(%dma_start3A_96 : memref<!tpu.dma_semaphore, #tpu.memory_space<semaphore_mem>>)
    %dma_start3A_97 = arith.constant 3 : i32
    %dma_start3A_98 = arith.constant 3 : i32
    %dma_start3A_99 = arith.constant 128 : i32
    %dma_start3A_100 = arith.constant 0 : i32
    %dma_start3A_101 = tpu.memref_slice %arg6[%dma_start3A_97, %dma_start3A_99, %dma_start3A_100] : memref<6x200x16xf32, #tpu.memory_space<vmem>> -> memref<1x72x16xf32, #tpu.memory_space<vmem>>
    %dma_start3A_102 = tpu.memref_squeeze %dma_start3A_101 : memref<1x72x16xf32, #tpu.memory_space<vmem>> -> memref<72x16xf32, #tpu.memory_space<vmem>>
    %dma_start3A_103 = arith.constant 728 : i32
    %dma_start3A_104 = tpu.memref_slice %arg5[%dma_start3A_103] : memref<6400xi32, #tpu.memory_space<vmem>> -> memref<72xi32, #tpu.memory_space<vmem>>
    %dma_start3A_105 = arith.constant 0 : i32
    %dma_start3A_106 = arith.constant 0 : i32
    %dma_start3A_107 = tpu.memref_slice %arg3[%dma_start3A_105, %dma_start3A_106] : memref<100000x16xf32, #tpu.memory_space<hbm>> -> memref<100000x16xf32, #tpu.memory_space<hbm>>
    %dma_start3A_108 = tpu.memref_slice %arg8[%dma_start3A_98] : memref<6x!tpu.dma_semaphore, #tpu.memory_space<semaphore_mem>> -> memref<1x!tpu.dma_semaphore, #tpu.memory_space<semaphore_mem>>
    %dma_start3A_109 = tpu.memref_squeeze %dma_start3A_108 : memref<1x!tpu.dma_semaphore, #tpu.memory_space<semaphore_mem>> -> memref<!tpu.dma_semaphore, #tpu.memory_space<semaphore_mem>>
    tpu.enqueue_indirect_dma source(%dma_start3A_107 : memref<100000x16xf32, #tpu.memory_space<hbm>>) target(%dma_start3A_102 : memref<72x16xf32, #tpu.memory_space<vmem>>) offsets(%dma_start3A_104 : memref<72xi32, #tpu.memory_space<vmem>>) semaphore(%dma_start3A_109 : memref<!tpu.dma_semaphore, #tpu.memory_space<semaphore_mem>>)
    %dma_start3A_110 = arith.constant 4 : i32
    %dma_start3A_111 = arith.constant 4 : i32
    %dma_start3A_112 = arith.constant 0 : i32
    %dma_start3A_113 = arith.constant 0 : i32
    %dma_start3A_114 = tpu.memref_slice %arg6[%dma_start3A_110, %dma_start3A_112, %dma_start3A_113] : memref<6x200x16xf32, #tpu.memory_space<vmem>> -> memref<1x128x16xf32, #tpu.memory_space<vmem>>
    %dma_start3A_115 = tpu.memref_squeeze %dma_start3A_114 : memref<1x128x16xf32, #tpu.memory_space<vmem>> -> memref<128x16xf32, #tpu.memory_space<vmem>>
    %dma_start3A_116 = arith.constant 800 : i32
    %dma_start3A_117 = tpu.memref_slice %arg5[%dma_start3A_116] : memref<6400xi32, #tpu.memory_space<vmem>> -> memref<128xi32, #tpu.memory_space<vmem>>
    %dma_start3A_118 = arith.constant 0 : i32
    %dma_start3A_119 = arith.constant 0 : i32
    %dma_start3A_120 = tpu.memref_slice %arg3[%dma_start3A_118, %dma_start3A_119] : memref<100000x16xf32, #tpu.memory_space<hbm>> -> memref<100000x16xf32, #tpu.memory_space<hbm>>
    %dma_start3A_121 = tpu.memref_slice %arg8[%dma_start3A_111] : memref<6x!tpu.dma_semaphore, #tpu.memory_space<semaphore_mem>> -> memref<1x!tpu.dma_semaphore, #tpu.memory_space<semaphore_mem>>
    %dma_start3A_122 = tpu.memref_squeeze %dma_start3A_121 : memref<1x!tpu.dma_semaphore, #tpu.memory_space<semaphore_mem>> -> memref<!tpu.dma_semaphore, #tpu.memory_space<semaphore_mem>>
    tpu.enqueue_indirect_dma source(%dma_start3A_120 : memref<100000x16xf32, #tpu.memory_space<hbm>>) target(%dma_start3A_115 : memref<128x16xf32, #tpu.memory_space<vmem>>) offsets(%dma_start3A_117 : memref<128xi32, #tpu.memory_space<vmem>>) semaphore(%dma_start3A_122 : memref<!tpu.dma_semaphore, #tpu.memory_space<semaphore_mem>>)
    %dma_start3A_123 = arith.constant 4 : i32
    %dma_start3A_124 = arith.constant 4 : i32
    %dma_start3A_125 = arith.constant 128 : i32
    %dma_start3A_126 = arith.constant 0 : i32
    %dma_start3A_127 = tpu.memref_slice %arg6[%dma_start3A_123, %dma_start3A_125, %dma_start3A_126] : memref<6x200x16xf32, #tpu.memory_space<vmem>> -> memref<1x72x16xf32, #tpu.memory_space<vmem>>
    %dma_start3A_128 = tpu.memref_squeeze %dma_start3A_127 : memref<1x72x16xf32, #tpu.memory_space<vmem>> -> memref<72x16xf32, #tpu.memory_space<vmem>>
    %dma_start3A_129 = arith.constant 928 : i32
    %dma_start3A_130 = tpu.memref_slice %arg5[%dma_start3A_129] : memref<6400xi32, #tpu.memory_space<vmem>> -> memref<72xi32, #tpu.memory_space<vmem>>
    %dma_start3A_131 = arith.constant 0 : i32
    %dma_start3A_132 = arith.constant 0 : i32
    %dma_start3A_133 = tpu.memref_slice %arg3[%dma_start3A_131, %dma_start3A_132] : memref<100000x16xf32, #tpu.memory_space<hbm>> -> memref<100000x16xf32, #tpu.memory_space<hbm>>
    %dma_start3A_134 = tpu.memref_slice %arg8[%dma_start3A_124] : memref<6x!tpu.dma_semaphore, #tpu.memory_space<semaphore_mem>> -> memref<1x!tpu.dma_semaphore, #tpu.memory_space<semaphore_mem>>
    %dma_start3A_135 = tpu.memref_squeeze %dma_start3A_134 : memref<1x!tpu.dma_semaphore, #tpu.memory_space<semaphore_mem>> -> memref<!tpu.dma_semaphore, #tpu.memory_space<semaphore_mem>>
    tpu.enqueue_indirect_dma source(%dma_start3A_133 : memref<100000x16xf32, #tpu.memory_space<hbm>>) target(%dma_start3A_128 : memref<72x16xf32, #tpu.memory_space<vmem>>) offsets(%dma_start3A_130 : memref<72xi32, #tpu.memory_space<vmem>>) semaphore(%dma_start3A_135 : memref<!tpu.dma_semaphore, #tpu.memory_space<semaphore_mem>>)
    %scan3A = arith.constant 0 : i32
    %scan3A_136 = arith.constant 0 : i32
    %scan3A_137 = arith.constant 32 : i32
    %scan3A_138 = arith.addi %scan3A_136, %scan3A_137 : i32
    %scan3A_139 = arith.constant 1 : i32
    scf.for %scan3A_141 = %scan3A_136 to %scan3A_138 step %scan3A_139  : i32 {
      %rem3A = arith.constant 6 : i32
      %rem3A_142 = arith.remsi %scan3A_141, %rem3A : i32
      %add3A_143 = arith.constant 5 : i32
      %add3A_144 = arith.addi %scan3A_141, %add3A_143 : i32
      %lt3A = arith.constant 32 : i32
      %lt3A_145 = arith.cmpi slt, %add3A_144, %lt3A : i32
      %convert_element_type3A = arith.extui %lt3A_145 : i1 to i32
      %cond3A = arith.constant 0 : i32
      %cond3A_146 = arith.cmpi ne, %convert_element_type3A, %cond3A : i32
      scf.if %cond3A_146 {
        %add3A_186 = arith.constant 5 : i32
        %add3A_187 = arith.addi %scan3A_141, %add3A_186 : i32
        %add3A_188 = arith.constant 5 : i32
        %add3A_189 = arith.addi %scan3A_141, %add3A_188 : i32
        %rem3A_190 = arith.constant 6 : i32
        %rem3A_191 = arith.remsi %add3A_189, %rem3A_190 : i32
        %mul3A_192 = arith.constant 200 : i32
        %mul3A_193 = arith.muli %add3A_187, %mul3A_192 : i32
        %dma_start3A_194 = arith.constant 0 : i32
        %dma_start3A_195 = arith.constant 0 : i32
        %dma_start3A_196 = tpu.memref_slice %arg6[%rem3A_191, %dma_start3A_194, %dma_start3A_195] : memref<6x200x16xf32, #tpu.memory_space<vmem>> -> memref<1x128x16xf32, #tpu.memory_space<vmem>>
        %dma_start3A_197 = tpu.memref_squeeze %dma_start3A_196 : memref<1x128x16xf32, #tpu.memory_space<vmem>> -> memref<128x16xf32, #tpu.memory_space<vmem>>
        %dma_start3A_198 = tpu.memref_slice %arg5[%mul3A_193] : memref<6400xi32, #tpu.memory_space<vmem>> -> memref<128xi32, #tpu.memory_space<vmem>>
        %dma_start3A_199 = arith.constant 0 : i32
        %dma_start3A_200 = arith.constant 0 : i32
        %dma_start3A_201 = tpu.memref_slice %arg3[%dma_start3A_199, %dma_start3A_200] : memref<100000x16xf32, #tpu.memory_space<hbm>> -> memref<100000x16xf32, #tpu.memory_space<hbm>>
        %dma_start3A_202 = tpu.memref_slice %arg8[%rem3A_191] : memref<6x!tpu.dma_semaphore, #tpu.memory_space<semaphore_mem>> -> memref<1x!tpu.dma_semaphore, #tpu.memory_space<semaphore_mem>>
        %dma_start3A_203 = tpu.memref_squeeze %dma_start3A_202 : memref<1x!tpu.dma_semaphore, #tpu.memory_space<semaphore_mem>> -> memref<!tpu.dma_semaphore, #tpu.memory_space<semaphore_mem>>
        tpu.enqueue_indirect_dma source(%dma_start3A_201 : memref<100000x16xf32, #tpu.memory_space<hbm>>) target(%dma_start3A_197 : memref<128x16xf32, #tpu.memory_space<vmem>>) offsets(%dma_start3A_198 : memref<128xi32, #tpu.memory_space<vmem>>) semaphore(%dma_start3A_203 : memref<!tpu.dma_semaphore, #tpu.memory_space<semaphore_mem>>)
        %mul3A_204 = arith.constant 200 : i32
        %mul3A_205 = arith.muli %add3A_187, %mul3A_204 : i32
        %add3A_206 = arith.constant 128 : i32
        %add3A_207 = arith.addi %mul3A_205, %add3A_206 : i32
        %dma_start3A_208 = arith.constant 128 : i32
        %dma_start3A_209 = arith.constant 0 : i32
        %dma_start3A_210 = tpu.memref_slice %arg6[%rem3A_191, %dma_start3A_208, %dma_start3A_209] : memref<6x200x16xf32, #tpu.memory_space<vmem>> -> memref<1x72x16xf32, #tpu.memory_space<vmem>>
        %dma_start3A_211 = tpu.memref_squeeze %dma_start3A_210 : memref<1x72x16xf32, #tpu.memory_space<vmem>> -> memref<72x16xf32, #tpu.memory_space<vmem>>
        %dma_start3A_212 = tpu.memref_slice %arg5[%add3A_207] : memref<6400xi32, #tpu.memory_space<vmem>> -> memref<72xi32, #tpu.memory_space<vmem>>
        %dma_start3A_213 = arith.constant 0 : i32
        %dma_start3A_214 = arith.constant 0 : i32
        %dma_start3A_215 = tpu.memref_slice %arg3[%dma_start3A_213, %dma_start3A_214] : memref<100000x16xf32, #tpu.memory_space<hbm>> -> memref<100000x16xf32, #tpu.memory_space<hbm>>
        %dma_start3A_216 = tpu.memref_slice %arg8[%rem3A_191] : memref<6x!tpu.dma_semaphore, #tpu.memory_space<semaphore_mem>> -> memref<1x!tpu.dma_semaphore, #tpu.memory_space<semaphore_mem>>
        %dma_start3A_217 = tpu.memref_squeeze %dma_start3A_216 : memref<1x!tpu.dma_semaphore, #tpu.memory_space<semaphore_mem>> -> memref<!tpu.dma_semaphore, #tpu.memory_space<semaphore_mem>>
        tpu.enqueue_indirect_dma source(%dma_start3A_215 : memref<100000x16xf32, #tpu.memory_space<hbm>>) target(%dma_start3A_211 : memref<72x16xf32, #tpu.memory_space<vmem>>) offsets(%dma_start3A_212 : memref<72xi32, #tpu.memory_space<vmem>>) semaphore(%dma_start3A_217 : memref<!tpu.dma_semaphore, #tpu.memory_space<semaphore_mem>>)
      } else {
      }
      %mul3A_147 = arith.constant 200 : i32
      %mul3A_148 = arith.muli %scan3A_141, %mul3A_147 : i32
      %dma_wait3A = arith.constant 0 : i32
      %dma_wait3A_149 = arith.constant 0 : i32
      %dma_wait3A_150 = tpu.memref_slice %arg6[%rem3A_142, %dma_wait3A, %dma_wait3A_149] : memref<6x200x16xf32, #tpu.memory_space<vmem>> -> memref<1x128x16xf32, #tpu.memory_space<vmem>>
      %dma_wait3A_151 = tpu.memref_squeeze %dma_wait3A_150 : memref<1x128x16xf32, #tpu.memory_space<vmem>> -> memref<128x16xf32, #tpu.memory_space<vmem>>
      %dma_wait3A_152 = tpu.memref_slice %arg5[%mul3A_148] : memref<6400xi32, #tpu.memory_space<vmem>> -> memref<128xi32, #tpu.memory_space<vmem>>
      %dma_wait3A_153 = arith.constant 0 : i32
      %dma_wait3A_154 = arith.constant 0 : i32
      %dma_wait3A_155 = tpu.memref_slice %arg3[%dma_wait3A_153, %dma_wait3A_154] : memref<100000x16xf32, #tpu.memory_space<hbm>> -> memref<100000x16xf32, #tpu.memory_space<hbm>>
      %dma_wait3A_156 = tpu.memref_slice %arg8[%rem3A_142] : memref<6x!tpu.dma_semaphore, #tpu.memory_space<semaphore_mem>> -> memref<1x!tpu.dma_semaphore, #tpu.memory_space<semaphore_mem>>
      %dma_wait3A_157 = tpu.memref_squeeze %dma_wait3A_156 : memref<1x!tpu.dma_semaphore, #tpu.memory_space<semaphore_mem>> -> memref<!tpu.dma_semaphore, #tpu.memory_space<semaphore_mem>>
      tpu.wait_indirect_dma semaphore(%dma_wait3A_157 : memref<!tpu.dma_semaphore, #tpu.memory_space<semaphore_mem>>) src(%dma_wait3A_155 : memref<100000x16xf32, #tpu.memory_space<hbm>>) dst(%dma_wait3A_151 : memref<128x16xf32, #tpu.memory_space<vmem>>)
      %mul3A_158 = arith.constant 200 : i32
      %mul3A_159 = arith.muli %scan3A_141, %mul3A_158 : i32
      %add3A_160 = arith.constant 128 : i32
      %add3A_161 = arith.addi %mul3A_159, %add3A_160 : i32
      %dma_wait3A_162 = arith.constant 128 : i32
      %dma_wait3A_163 = arith.constant 0 : i32
      %dma_wait3A_164 = tpu.memref_slice %arg6[%rem3A_142, %dma_wait3A_162, %dma_wait3A_163] : memref<6x200x16xf32, #tpu.memory_space<vmem>> -> memref<1x72x16xf32, #tpu.memory_space<vmem>>
      %dma_wait3A_165 = tpu.memref_squeeze %dma_wait3A_164 : memref<1x72x16xf32, #tpu.memory_space<vmem>> -> memref<72x16xf32, #tpu.memory_space<vmem>>
      %dma_wait3A_166 = tpu.memref_slice %arg5[%add3A_161] : memref<6400xi32, #tpu.memory_space<vmem>> -> memref<72xi32, #tpu.memory_space<vmem>>
      %dma_wait3A_167 = arith.constant 0 : i32
      %dma_wait3A_168 = arith.constant 0 : i32
      %dma_wait3A_169 = tpu.memref_slice %arg3[%dma_wait3A_167, %dma_wait3A_168] : memref<100000x16xf32, #tpu.memory_space<hbm>> -> memref<100000x16xf32, #tpu.memory_space<hbm>>
      %dma_wait3A_170 = tpu.memref_slice %arg8[%rem3A_142] : memref<6x!tpu.dma_semaphore, #tpu.memory_space<semaphore_mem>> -> memref<1x!tpu.dma_semaphore, #tpu.memory_space<semaphore_mem>>
      %dma_wait3A_171 = tpu.memref_squeeze %dma_wait3A_170 : memref<1x!tpu.dma_semaphore, #tpu.memory_space<semaphore_mem>> -> memref<!tpu.dma_semaphore, #tpu.memory_space<semaphore_mem>>
      tpu.wait_indirect_dma semaphore(%dma_wait3A_171 : memref<!tpu.dma_semaphore, #tpu.memory_space<semaphore_mem>>) src(%dma_wait3A_169 : memref<100000x16xf32, #tpu.memory_space<hbm>>) dst(%dma_wait3A_165 : memref<72x16xf32, #tpu.memory_space<vmem>>)
      %broadcast_in_dim3A = arith.constant 0.000000e+00 : f32
      %broadcast_in_dim3A_172 = vector.broadcast %broadcast_in_dim3A : f32 to vector<16xf32>
      %scan3A_173 = arith.constant 0 : i32
      %scan3A_174 = arith.constant 25 : i32
      %scan3A_175 = arith.addi %scan3A_173, %scan3A_174 : i32
      %scan3A_176 = arith.constant 1 : i32
      %scan3A_177 = scf.for %scan3A_186 = %scan3A_173 to %scan3A_175 step %scan3A_176 iter_args(%scan3A_187 = %broadcast_in_dim3A_172) -> (vector<16xf32>)  : i32 {
        %mul3A_188 = arith.constant 8 : i32
        %mul3A_189 = arith.muli %mul3A_188, %scan3A_186 : i32
        %add3A_190 = arith.constant 0 : i32
        %add3A_191 = arith.addi %mul3A_189, %add3A_190 : i32
        %get3A = arith.index_cast %rem3A_142 : i32 to index
        %get3A_192 = arith.index_cast %add3A_191 : i32 to index
        %get3A_193 = arith.constant 0 : index
        %get3A_194 = tpu.vector_load %arg6[%get3A, %get3A_192, %get3A_193] {strides = array<i32>} : memref<6x200x16xf32, #tpu.memory_space<vmem>>, vector<1x1x16xf32>,
        %get3A_195 = vector.shape_cast %get3A_194 : vector<1x1x16xf32> to vector<16xf32>
        %add3A_196 = arith.addf %scan3A_187, %get3A_195 : vector<16xf32>
        %mul3A_197 = arith.constant 8 : i32
        %mul3A_198 = arith.muli %mul3A_197, %scan3A_186 : i32
        %add3A_199 = arith.constant 1 : i32
        %add3A_200 = arith.addi %mul3A_198, %add3A_199 : i32
        %get3A_201 = arith.index_cast %rem3A_142 : i32 to index
        %get3A_202 = arith.index_cast %add3A_200 : i32 to index
        %get3A_203 = arith.constant 0 : index
        %get3A_204 = tpu.vector_load %arg6[%get3A_201, %get3A_202, %get3A_203] {strides = array<i32>} : memref<6x200x16xf32, #tpu.memory_space<vmem>>, vector<1x1x16xf32>,
        %get3A_205 = vector.shape_cast %get3A_204 : vector<1x1x16xf32> to vector<16xf32>
        %add3A_206 = arith.addf %add3A_196, %get3A_205 : vector<16xf32>
        %mul3A_207 = arith.constant 8 : i32
        %mul3A_208 = arith.muli %mul3A_207, %scan3A_186 : i32
        %add3A_209 = arith.constant 2 : i32
        %add3A_210 = arith.addi %mul3A_208, %add3A_209 : i32
        %get3A_211 = arith.index_cast %rem3A_142 : i32 to index
        %get3A_212 = arith.index_cast %add3A_210 : i32 to index
        %get3A_213 = arith.constant 0 : index
        %get3A_214 = tpu.vector_load %arg6[%get3A_211, %get3A_212, %get3A_213] {strides = array<i32>} : memref<6x200x16xf32, #tpu.memory_space<vmem>>, vector<1x1x16xf32>,
        %get3A_215 = vector.shape_cast %get3A_214 : vector<1x1x16xf32> to vector<16xf32>
        %add3A_216 = arith.addf %add3A_206, %get3A_215 : vector<16xf32>
        %mul3A_217 = arith.constant 8 : i32
        %mul3A_218 = arith.muli %mul3A_217, %scan3A_186 : i32
        %add3A_219 = arith.constant 3 : i32
        %add3A_220 = arith.addi %mul3A_218, %add3A_219 : i32
        %get3A_221 = arith.index_cast %rem3A_142 : i32 to index
        %get3A_222 = arith.index_cast %add3A_220 : i32 to index
        %get3A_223 = arith.constant 0 : index
        %get3A_224 = tpu.vector_load %arg6[%get3A_221, %get3A_222, %get3A_223] {strides = array<i32>} : memref<6x200x16xf32, #tpu.memory_space<vmem>>, vector<1x1x16xf32>,
        %get3A_225 = vector.shape_cast %get3A_224 : vector<1x1x16xf32> to vector<16xf32>
        %add3A_226 = arith.addf %add3A_216, %get3A_225 : vector<16xf32>
        %mul3A_227 = arith.constant 8 : i32
        %mul3A_228 = arith.muli %mul3A_227, %scan3A_186 : i32
        %add3A_229 = arith.constant 4 : i32
        %add3A_230 = arith.addi %mul3A_228, %add3A_229 : i32
        %get3A_231 = arith.index_cast %rem3A_142 : i32 to index
        %get3A_232 = arith.index_cast %add3A_230 : i32 to index
        %get3A_233 = arith.constant 0 : index
        %get3A_234 = tpu.vector_load %arg6[%get3A_231, %get3A_232, %get3A_233] {strides = array<i32>} : memref<6x200x16xf32, #tpu.memory_space<vmem>>, vector<1x1x16xf32>,
        %get3A_235 = vector.shape_cast %get3A_234 : vector<1x1x16xf32> to vector<16xf32>
        %add3A_236 = arith.addf %add3A_226, %get3A_235 : vector<16xf32>
        %mul3A_237 = arith.constant 8 : i32
        %mul3A_238 = arith.muli %mul3A_237, %scan3A_186 : i32
        %add3A_239 = arith.constant 5 : i32
        %add3A_240 = arith.addi %mul3A_238, %add3A_239 : i32
        %get3A_241 = arith.index_cast %rem3A_142 : i32 to index
        %get3A_242 = arith.index_cast %add3A_240 : i32 to index
        %get3A_243 = arith.constant 0 : index
        %get3A_244 = tpu.vector_load %arg6[%get3A_241, %get3A_242, %get3A_243] {strides = array<i32>} : memref<6x200x16xf32, #tpu.memory_space<vmem>>, vector<1x1x16xf32>,
        %get3A_245 = vector.shape_cast %get3A_244 : vector<1x1x16xf32> to vector<16xf32>
        %add3A_246 = arith.addf %add3A_236, %get3A_245 : vector<16xf32>
        %mul3A_247 = arith.constant 8 : i32
        %mul3A_248 = arith.muli %mul3A_247, %scan3A_186 : i32
        %add3A_249 = arith.constant 6 : i32
        %add3A_250 = arith.addi %mul3A_248, %add3A_249 : i32
        %get3A_251 = arith.index_cast %rem3A_142 : i32 to index
        %get3A_252 = arith.index_cast %add3A_250 : i32 to index
        %get3A_253 = arith.constant 0 : index
        %get3A_254 = tpu.vector_load %arg6[%get3A_251, %get3A_252, %get3A_253] {strides = array<i32>} : memref<6x200x16xf32, #tpu.memory_space<vmem>>, vector<1x1x16xf32>,
        %get3A_255 = vector.shape_cast %get3A_254 : vector<1x1x16xf32> to vector<16xf32>
        %add3A_256 = arith.addf %add3A_246, %get3A_255 : vector<16xf32>
        %mul3A_257 = arith.constant 8 : i32
        %mul3A_258 = arith.muli %mul3A_257, %scan3A_186 : i32
        %add3A_259 = arith.constant 7 : i32
        %add3A_260 = arith.addi %mul3A_258, %add3A_259 : i32
        %get3A_261 = arith.index_cast %rem3A_142 : i32 to index
        %get3A_262 = arith.index_cast %add3A_260 : i32 to index
        %get3A_263 = arith.constant 0 : index
        %get3A_264 = tpu.vector_load %arg6[%get3A_261, %get3A_262, %get3A_263] {strides = array<i32>} : memref<6x200x16xf32, #tpu.memory_space<vmem>>, vector<1x1x16xf32>,
        %get3A_265 = vector.shape_cast %get3A_264 : vector<1x1x16xf32> to vector<16xf32>
        %add3A_266 = arith.addf %add3A_256, %get3A_265 : vector<16xf32>
        scf.yield %add3A_266 : vector<16xf32>
      }
      %scan3A_178 = arith.constant 25 : i32
      %mul3A_179 = arith.constant 5.000000e-03 : f32
      %mul3A_180 = vector.broadcast %mul3A_179 : f32 to vector<16xf32>
      %mul3A_181 = arith.mulf %scan3A_177, %mul3A_180 : vector<16xf32>
      %swap3A = arith.index_cast %scan3A_141 : i32 to index
      %swap3A_182 = arith.constant 0 : index
      %swap3A_183 = tpu.vector_load %arg7[%swap3A, %swap3A_182] {strides = array<i32>} : memref<32x16xf32, #tpu.memory_space<vmem>>, vector<1x16xf32>,
      %swap3A_184 = vector.shape_cast %swap3A_183 : vector<1x16xf32> to vector<16xf32>
      %swap3A_185 = vector.shape_cast %mul3A_181 : vector<16xf32> to vector<1x16xf32>
      tpu.vector_store %arg7[%swap3A, %swap3A_182], %swap3A_185 {strides = array<i32>} : memref<32x16xf32, #tpu.memory_space<vmem>>, vector<1x16xf32>,
    }
    %scan3A_140 = arith.constant 32 : i32
    "tpu.region"() ({
      %run_scoped3A = tpu.sem_alloc : memref<!tpu.dma_semaphore, #tpu.memory_space<semaphore_mem>>
      %dma_start3A_141 = arith.constant 0 : i32
      %dma_start3A_142 = tpu.memref_slice %arg4[%mul3A_2, %dma_start3A_141] : memref<1024x16xf32, #tpu.memory_space<hbm>> -> memref<32x16xf32, #tpu.memory_space<hbm>>
      %dma_start3A_143 = arith.constant 0 : i32
      %dma_start3A_144 = tpu.memref_slice %arg4[%mul3A_2, %dma_start3A_143] : memref<1024x16xf32, #tpu.memory_space<hbm>> -> memref<32x16xf32, #tpu.memory_space<hbm>>
      tpu.enqueue_dma source(%arg7 : memref<32x16xf32, #tpu.memory_space<vmem>>) target(%dma_start3A_144 : memref<32x16xf32, #tpu.memory_space<hbm>>) target_semaphore(%run_scoped3A : memref<!tpu.dma_semaphore, #tpu.memory_space<semaphore_mem>>)
      %dma_wait3A = arith.constant 0 : i32
      %dma_wait3A_145 = tpu.memref_slice %arg4[%mul3A_2, %dma_wait3A] : memref<1024x16xf32, #tpu.memory_space<hbm>> -> memref<32x16xf32, #tpu.memory_space<hbm>>
      %dma_wait3A_146 = arith.constant 0 : i32
      %dma_wait3A_147 = tpu.memref_slice %arg4[%mul3A_2, %dma_wait3A_146] : memref<1024x16xf32, #tpu.memory_space<hbm>> -> memref<32x16xf32, #tpu.memory_space<hbm>>
      tpu.wait_dma2 semaphore(%run_scoped3A : memref<!tpu.dma_semaphore, #tpu.memory_space<semaphore_mem>>) src(%arg7 : memref<32x16xf32, #tpu.memory_space<vmem>>) dst(%dma_wait3A_147 : memref<32x16xf32, #tpu.memory_space<hbm>>)
      tpu.yield
    }) : () -> ()
    return
  }
}

module attributes {stable_mosaic.version = 14 : i64} {
  func.func @body(%arg0: i32, %arg1: memref<8x16xf32, #tpu.memory_space<vmem>>, %arg2: memref<16x100000xf32, #tpu.memory_space<vmem>>, %arg3: memref<1x100000xf32, #tpu.memory_space<vmem>>, %arg4: memref<1024x100000xf32, #tpu.memory_space<any>>, %arg5: memref<4x8x100000xf32, #tpu.memory_space<vmem>>, %arg6: memref<4x!tpu.dma_semaphore, #tpu.memory_space<semaphore_mem>>) attributes {dimension_semantics = [#tpu.dimension_semantics<arbitrary>], iteration_bounds = array<i64: 128>, scalar_prefetch = 0 : i64, scratch_operands = 2 : i64, tpu.core_type = #tpu.core_type<tc>, window_params = [{transform_indices = @transform_0, window_bounds = array<i64: 8, 16>}, {pipeline_mode = #tpu.pipeline_mode<synchronous>, transform_indices = @transform_1, window_bounds = array<i64: 16, 100000>}, {pipeline_mode = #tpu.pipeline_mode<synchronous>, transform_indices = @transform_2, window_bounds = array<i64: 1, 100000>}, {}]} {
    %rem3A = arith.constant 4 : i32
    %rem3A_0 = arith.remsi %arg0, %rem3A : i32
    %ge3A = arith.constant 4 : i32
    %ge3A_1 = arith.cmpi sge, %arg0, %ge3A : i32
    %convert_element_type3A = arith.extui %ge3A_1 : i1 to i32
    %cond3A = arith.constant 0 : i32
    %cond3A_2 = arith.cmpi ne, %convert_element_type3A, %cond3A : i32
    scf.if %cond3A_2 {
      %sub3A = arith.constant 4 : i32
      %sub3A_30 = arith.subi %arg0, %sub3A : i32
      %mul3A_31 = arith.constant 8 : i32
      %mul3A_32 = arith.muli %sub3A_30, %mul3A_31 : i32
      %dma_wait3A = tpu.memref_slice %arg6[%rem3A_0] : memref<4x!tpu.dma_semaphore, #tpu.memory_space<semaphore_mem>> -> memref<1x!tpu.dma_semaphore, #tpu.memory_space<semaphore_mem>>
      %dma_wait3A_33 = tpu.memref_squeeze %dma_wait3A : memref<1x!tpu.dma_semaphore, #tpu.memory_space<semaphore_mem>> -> memref<!tpu.dma_semaphore, #tpu.memory_space<semaphore_mem>>
      %dma_wait3A_34 = arith.constant 0 : i32
      %dma_wait3A_35 = tpu.memref_slice %arg4[%mul3A_32, %dma_wait3A_34] : memref<1024x100000xf32, #tpu.memory_space<any>> -> memref<8x100000xf32, #tpu.memory_space<any>>
      %dma_wait3A_36 = arith.constant 0 : i32
      %dma_wait3A_37 = arith.constant 0 : i32
      %dma_wait3A_38 = tpu.memref_slice %arg5[%rem3A_0, %dma_wait3A_36, %dma_wait3A_37] : memref<4x8x100000xf32, #tpu.memory_space<vmem>> -> memref<1x8x100000xf32, #tpu.memory_space<vmem>>
      %dma_wait3A_39 = tpu.memref_squeeze %dma_wait3A_38 : memref<1x8x100000xf32, #tpu.memory_space<vmem>> -> memref<8x100000xf32, #tpu.memory_space<vmem>>
      tpu.wait_dma2 semaphore(%dma_wait3A_33 : memref<!tpu.dma_semaphore, #tpu.memory_space<semaphore_mem>>) src(%dma_wait3A_39 : memref<8x100000xf32, #tpu.memory_space<vmem>>) dst(%dma_wait3A_35 : memref<8x100000xf32, #tpu.memory_space<any>>)
    } else {
    }
    %get3A = arith.constant 0 : index
    %get3A_3 = arith.constant 0 : index
    %get3A_4 = vector.load %arg1[%get3A, %get3A_3] : memref<8x16xf32, #tpu.memory_space<vmem>>, vector<8x16xf32>
    %get3A_5 = arith.constant 0 : index
    %get3A_6 = arith.constant 0 : index
    %get3A_7 = vector.load %arg2[%get3A_5, %get3A_6] : memref<16x100000xf32, #tpu.memory_space<vmem>>, vector<16x100000xf32>
    %dot_general3A = arith.constant dense<0.000000e+00> : vector<8x100000xf32>
    %dot_general3A_8 = tpu.matmul %get3A_4, %get3A_7, %dot_general3A {dimension_numbers = #tpu.dot_dimension_numbers<[1], [0], [0], [1], [0, 0, 1, 1], [], []>, transpose_lhs_hint = false} : vector<8x16xf32>, vector<16x100000xf32>, vector<8x100000xf32> -> vector<8x100000xf32>
    %get3A_9 = arith.constant 0 : index
    %get3A_10 = arith.constant 0 : index
    %get3A_11 = vector.load %arg3[%get3A_9, %get3A_10] : memref<1x100000xf32, #tpu.memory_space<vmem>>, vector<1x100000xf32>
    %add3A = vector.broadcast %get3A_11 : vector<1x100000xf32> to vector<8x100000xf32>
    %add3A_12 = arith.addf %dot_general3A_8, %add3A : vector<8x100000xf32>
    %swap3A = arith.index_cast %rem3A_0 : i32 to index
    %swap3A_13 = arith.constant 0 : index
    %swap3A_14 = arith.constant 0 : index
    %swap3A_15 = vector.load %arg5[%swap3A, %swap3A_13, %swap3A_14] : memref<4x8x100000xf32, #tpu.memory_space<vmem>>, vector<1x8x100000xf32>
    %swap3A_16 = vector.shape_cast %swap3A_15 : vector<1x8x100000xf32> to vector<8x100000xf32>
    %swap3A_17 = vector.shape_cast %add3A_12 : vector<8x100000xf32> to vector<1x8x100000xf32>
    tpu.vector_store %arg5[%swap3A, %swap3A_13, %swap3A_14], %swap3A_17 {strides = array<i32>} : memref<4x8x100000xf32, #tpu.memory_space<vmem>>, vector<1x8x100000xf32>,
    %mul3A = arith.constant 8 : i32
    %mul3A_18 = arith.muli %arg0, %mul3A : i32
    %dma_start3A = tpu.memref_slice %arg6[%rem3A_0] : memref<4x!tpu.dma_semaphore, #tpu.memory_space<semaphore_mem>> -> memref<1x!tpu.dma_semaphore, #tpu.memory_space<semaphore_mem>>
    %dma_start3A_19 = tpu.memref_squeeze %dma_start3A : memref<1x!tpu.dma_semaphore, #tpu.memory_space<semaphore_mem>> -> memref<!tpu.dma_semaphore, #tpu.memory_space<semaphore_mem>>
    %dma_start3A_20 = arith.constant 0 : i32
    %dma_start3A_21 = tpu.memref_slice %arg4[%mul3A_18, %dma_start3A_20] : memref<1024x100000xf32, #tpu.memory_space<any>> -> memref<8x100000xf32, #tpu.memory_space<any>>
    %dma_start3A_22 = arith.constant 0 : i32
    %dma_start3A_23 = arith.constant 0 : i32
    %dma_start3A_24 = tpu.memref_slice %arg5[%rem3A_0, %dma_start3A_22, %dma_start3A_23] : memref<4x8x100000xf32, #tpu.memory_space<vmem>> -> memref<1x8x100000xf32, #tpu.memory_space<vmem>>
    %dma_start3A_25 = tpu.memref_squeeze %dma_start3A_24 : memref<1x8x100000xf32, #tpu.memory_space<vmem>> -> memref<8x100000xf32, #tpu.memory_space<vmem>>
    tpu.enqueue_dma source(%dma_start3A_25 : memref<8x100000xf32, #tpu.memory_space<vmem>>) target(%dma_start3A_21 : memref<8x100000xf32, #tpu.memory_space<any>>) target_semaphore(%dma_start3A_19 : memref<!tpu.dma_semaphore, #tpu.memory_space<semaphore_mem>>)
    %eq3A = arith.constant 127 : i32
    %eq3A_26 = arith.cmpi eq, %arg0, %eq3A : i32
    %convert_element_type3A_27 = arith.extui %eq3A_26 : i1 to i32
    %cond3A_28 = arith.constant 0 : i32
    %cond3A_29 = arith.cmpi ne, %convert_element_type3A_27, %cond3A_28 : i32
    scf.if %cond3A_29 {
      %sub3A = arith.constant 4 : i32
      %sub3A_30 = arith.subi %arg0, %sub3A : i32
      %add3A_31 = arith.constant 1 : i32
      %add3A_32 = arith.addi %sub3A_30, %add3A_31 : i32
      %add3A_33 = arith.constant 4 : i32
      %add3A_34 = arith.addi %add3A_32, %add3A_33 : i32
      %rem3A_35 = arith.constant 4 : i32
      %rem3A_36 = arith.remsi %add3A_34, %rem3A_35 : i32
      %sub3A_37 = arith.constant 4 : i32
      %sub3A_38 = arith.subi %arg0, %sub3A_37 : i32
      %add3A_39 = arith.constant 1 : i32
      %add3A_40 = arith.addi %sub3A_38, %add3A_39 : i32
      %mul3A_41 = arith.constant 8 : i32
      %mul3A_42 = arith.muli %add3A_40, %mul3A_41 : i32
      %dma_wait3A = tpu.memref_slice %arg6[%rem3A_36] : memref<4x!tpu.dma_semaphore, #tpu.memory_space<semaphore_mem>> -> memref<1x!tpu.dma_semaphore, #tpu.memory_space<semaphore_mem>>
      %dma_wait3A_43 = tpu.memref_squeeze %dma_wait3A : memref<1x!tpu.dma_semaphore, #tpu.memory_space<semaphore_mem>> -> memref<!tpu.dma_semaphore, #tpu.memory_space<semaphore_mem>>
      %dma_wait3A_44 = arith.constant 0 : i32
      %dma_wait3A_45 = tpu.memref_slice %arg4[%mul3A_42, %dma_wait3A_44] : memref<1024x100000xf32, #tpu.memory_space<any>> -> memref<8x100000xf32, #tpu.memory_space<any>>
      %dma_wait3A_46 = arith.constant 0 : i32
      %dma_wait3A_47 = arith.constant 0 : i32
      %dma_wait3A_48 = tpu.memref_slice %arg5[%rem3A_36, %dma_wait3A_46, %dma_wait3A_47] : memref<4x8x100000xf32, #tpu.memory_space<vmem>> -> memref<1x8x100000xf32, #tpu.memory_space<vmem>>
      %dma_wait3A_49 = tpu.memref_squeeze %dma_wait3A_48 : memref<1x8x100000xf32, #tpu.memory_space<vmem>> -> memref<8x100000xf32, #tpu.memory_space<vmem>>
      tpu.wait_dma2 semaphore(%dma_wait3A_43 : memref<!tpu.dma_semaphore, #tpu.memory_space<semaphore_mem>>) src(%dma_wait3A_49 : memref<8x100000xf32, #tpu.memory_space<vmem>>) dst(%dma_wait3A_45 : memref<8x100000xf32, #tpu.memory_space<any>>)
      %sub3A_50 = arith.constant 4 : i32
      %sub3A_51 = arith.subi %arg0, %sub3A_50 : i32
      %add3A_52 = arith.constant 2 : i32
      %add3A_53 = arith.addi %sub3A_51, %add3A_52 : i32
      %add3A_54 = arith.constant 4 : i32
      %add3A_55 = arith.addi %add3A_53, %add3A_54 : i32
      %rem3A_56 = arith.constant 4 : i32
      %rem3A_57 = arith.remsi %add3A_55, %rem3A_56 : i32
      %sub3A_58 = arith.constant 4 : i32
      %sub3A_59 = arith.subi %arg0, %sub3A_58 : i32
      %add3A_60 = arith.constant 2 : i32
      %add3A_61 = arith.addi %sub3A_59, %add3A_60 : i32
      %mul3A_62 = arith.constant 8 : i32
      %mul3A_63 = arith.muli %add3A_61, %mul3A_62 : i32
      %dma_wait3A_64 = tpu.memref_slice %arg6[%rem3A_57] : memref<4x!tpu.dma_semaphore, #tpu.memory_space<semaphore_mem>> -> memref<1x!tpu.dma_semaphore, #tpu.memory_space<semaphore_mem>>
      %dma_wait3A_65 = tpu.memref_squeeze %dma_wait3A_64 : memref<1x!tpu.dma_semaphore, #tpu.memory_space<semaphore_mem>> -> memref<!tpu.dma_semaphore, #tpu.memory_space<semaphore_mem>>
      %dma_wait3A_66 = arith.constant 0 : i32
      %dma_wait3A_67 = tpu.memref_slice %arg4[%mul3A_63, %dma_wait3A_66] : memref<1024x100000xf32, #tpu.memory_space<any>> -> memref<8x100000xf32, #tpu.memory_space<any>>
      %dma_wait3A_68 = arith.constant 0 : i32
      %dma_wait3A_69 = arith.constant 0 : i32
      %dma_wait3A_70 = tpu.memref_slice %arg5[%rem3A_57, %dma_wait3A_68, %dma_wait3A_69] : memref<4x8x100000xf32, #tpu.memory_space<vmem>> -> memref<1x8x100000xf32, #tpu.memory_space<vmem>>
      %dma_wait3A_71 = tpu.memref_squeeze %dma_wait3A_70 : memref<1x8x100000xf32, #tpu.memory_space<vmem>> -> memref<8x100000xf32, #tpu.memory_space<vmem>>
      tpu.wait_dma2 semaphore(%dma_wait3A_65 : memref<!tpu.dma_semaphore, #tpu.memory_space<semaphore_mem>>) src(%dma_wait3A_71 : memref<8x100000xf32, #tpu.memory_space<vmem>>) dst(%dma_wait3A_67 : memref<8x100000xf32, #tpu.memory_space<any>>)
      %sub3A_72 = arith.constant 4 : i32
      %sub3A_73 = arith.subi %arg0, %sub3A_72 : i32
      %add3A_74 = arith.constant 3 : i32
      %add3A_75 = arith.addi %sub3A_73, %add3A_74 : i32
      %add3A_76 = arith.constant 4 : i32
      %add3A_77 = arith.addi %add3A_75, %add3A_76 : i32
      %rem3A_78 = arith.constant 4 : i32
      %rem3A_79 = arith.remsi %add3A_77, %rem3A_78 : i32
      %sub3A_80 = arith.constant 4 : i32
      %sub3A_81 = arith.subi %arg0, %sub3A_80 : i32
      %add3A_82 = arith.constant 3 : i32
      %add3A_83 = arith.addi %sub3A_81, %add3A_82 : i32
      %mul3A_84 = arith.constant 8 : i32
      %mul3A_85 = arith.muli %add3A_83, %mul3A_84 : i32
      %dma_wait3A_86 = tpu.memref_slice %arg6[%rem3A_79] : memref<4x!tpu.dma_semaphore, #tpu.memory_space<semaphore_mem>> -> memref<1x!tpu.dma_semaphore, #tpu.memory_space<semaphore_mem>>
      %dma_wait3A_87 = tpu.memref_squeeze %dma_wait3A_86 : memref<1x!tpu.dma_semaphore, #tpu.memory_space<semaphore_mem>> -> memref<!tpu.dma_semaphore, #tpu.memory_space<semaphore_mem>>
      %dma_wait3A_88 = arith.constant 0 : i32
      %dma_wait3A_89 = tpu.memref_slice %arg4[%mul3A_85, %dma_wait3A_88] : memref<1024x100000xf32, #tpu.memory_space<any>> -> memref<8x100000xf32, #tpu.memory_space<any>>
      %dma_wait3A_90 = arith.constant 0 : i32
      %dma_wait3A_91 = arith.constant 0 : i32
      %dma_wait3A_92 = tpu.memref_slice %arg5[%rem3A_79, %dma_wait3A_90, %dma_wait3A_91] : memref<4x8x100000xf32, #tpu.memory_space<vmem>> -> memref<1x8x100000xf32, #tpu.memory_space<vmem>>
      %dma_wait3A_93 = tpu.memref_squeeze %dma_wait3A_92 : memref<1x8x100000xf32, #tpu.memory_space<vmem>> -> memref<8x100000xf32, #tpu.memory_space<vmem>>
      tpu.wait_dma2 semaphore(%dma_wait3A_87 : memref<!tpu.dma_semaphore, #tpu.memory_space<semaphore_mem>>) src(%dma_wait3A_93 : memref<8x100000xf32, #tpu.memory_space<vmem>>) dst(%dma_wait3A_89 : memref<8x100000xf32, #tpu.memory_space<any>>)
      %sub3A_94 = arith.constant 4 : i32
      %sub3A_95 = arith.subi %arg0, %sub3A_94 : i32
      %add3A_96 = arith.constant 4 : i32
      %add3A_97 = arith.addi %sub3A_95, %add3A_96 : i32
      %add3A_98 = arith.constant 4 : i32
      %add3A_99 = arith.addi %add3A_97, %add3A_98 : i32
      %rem3A_100 = arith.constant 4 : i32
      %rem3A_101 = arith.remsi %add3A_99, %rem3A_100 : i32
      %sub3A_102 = arith.constant 4 : i32
      %sub3A_103 = arith.subi %arg0, %sub3A_102 : i32
      %add3A_104 = arith.constant 4 : i32
      %add3A_105 = arith.addi %sub3A_103, %add3A_104 : i32
      %mul3A_106 = arith.constant 8 : i32
      %mul3A_107 = arith.muli %add3A_105, %mul3A_106 : i32
      %dma_wait3A_108 = tpu.memref_slice %arg6[%rem3A_101] : memref<4x!tpu.dma_semaphore, #tpu.memory_space<semaphore_mem>> -> memref<1x!tpu.dma_semaphore, #tpu.memory_space<semaphore_mem>>
      %dma_wait3A_109 = tpu.memref_squeeze %dma_wait3A_108 : memref<1x!tpu.dma_semaphore, #tpu.memory_space<semaphore_mem>> -> memref<!tpu.dma_semaphore, #tpu.memory_space<semaphore_mem>>
      %dma_wait3A_110 = arith.constant 0 : i32
      %dma_wait3A_111 = tpu.memref_slice %arg4[%mul3A_107, %dma_wait3A_110] : memref<1024x100000xf32, #tpu.memory_space<any>> -> memref<8x100000xf32, #tpu.memory_space<any>>
      %dma_wait3A_112 = arith.constant 0 : i32
      %dma_wait3A_113 = arith.constant 0 : i32
      %dma_wait3A_114 = tpu.memref_slice %arg5[%rem3A_101, %dma_wait3A_112, %dma_wait3A_113] : memref<4x8x100000xf32, #tpu.memory_space<vmem>> -> memref<1x8x100000xf32, #tpu.memory_space<vmem>>
      %dma_wait3A_115 = tpu.memref_squeeze %dma_wait3A_114 : memref<1x8x100000xf32, #tpu.memory_space<vmem>> -> memref<8x100000xf32, #tpu.memory_space<vmem>>
      tpu.wait_dma2 semaphore(%dma_wait3A_109 : memref<!tpu.dma_semaphore, #tpu.memory_space<semaphore_mem>>) src(%dma_wait3A_115 : memref<8x100000xf32, #tpu.memory_space<vmem>>) dst(%dma_wait3A_111 : memref<8x100000xf32, #tpu.memory_space<any>>)
    } else {
    }
    return
  }
  func.func @transform_0(%arg0: i32) -> (i32, i32) {
    %c0_i32 = arith.constant 0 : i32
    %c0_i32_0 = arith.constant 0 : i32
    return %arg0, %c0_i32 : i32, i32
  }
  func.func @transform_1(%arg0: i32) -> (i32, i32) {
    %c0_i32 = arith.constant 0 : i32
    %c0_i32_0 = arith.constant 0 : i32
    %c0_i32_1 = arith.constant 0 : i32
    return %c0_i32, %c0_i32_0 : i32, i32
  }
  func.func @transform_2(%arg0: i32) -> (i32, i32) {
    %c0_i32 = arith.constant 0 : i32
    %c0_i32_0 = arith.constant 0 : i32
    %c0_i32_1 = arith.constant 0 : i32
    return %c0_i32, %c0_i32_0 : i32, i32
  }
}

</mosaic_0001>

<sc_bundles>
// kernel: kernel.4.cloned.1.call-start
scs
__scs_entry_jumppad:
0x0: {  	(pc) =	sbr.rel $0x88, $3  }
0x1: {  	(tag) =	ssettag $0x0;
	lr =	simm.s32 $0x1  }
0x2: {  	[smem:$0x3F9D] =	sst lr;
	_ =	strace $0xD0000000  }
0x3: {  	_ = 	snop  }
0x4: {  	_ = 	snop  }
0x5: {  	_ = 	snop  }
0x6: {  	_ = 	snop  }
0x7: {  	_ = 	snop  }
__scs_overlays_trampoline_lowered:
0x8: {  	[smem:$0x3FAC] =	sst s0  }
0x9: {  	[smem:$0x3FAD] =	sst s1  }
0xa: {  	[smem:$0x3FAE] =	sst s2  }
0xb: {  	[smem:$0x3FAF] =	sst s3  }
0xc: {  	[smem:$0x3FB0] =	sst s4  }
0xd: {  	[smem:$0x3FB1] =	sst s5  }
0xe: {  	[smem:$0x3FB2] =	sst s6  }
0xf: {  	[smem:$0x3FB3] =	sst s7  }
0x10: {  	[smem:$0x3FB4] =	sst s8  }
0x11: {  	[smem:$0x3FB5] =	sst s9;
	s0 =	simm.s32 @!p0 $0x0  }
0x12: {  	s1 =	sld [smem:$0x3F9B];
	s0 =	simm.s32 @p0 $0x1  }
0x13: {  	[smem:$0x3FB6] =	sst s0;
	s0 =	simm.s32 @!p1 $0x0  }
0x14: {  	s2 =	sld [smem:$0x3F9A];
	s0 =	simm.s32 @p1 $0x1  }
0x15: {  	[smem:$0x3FB7] =	sst s0;
	s0 =	simm.s32 @!p2 $0x0  }
0x16: {  	s3 =	sld [smem:$0x3FDB];
	s0 =	simm.s32 @p2 $0x1  }
0x17: {  	s4 =	simm.s32 $0x1BF5;
	[smem:$0x3FB9] =	sst s0  }
0x18: {  	s0 =	sld [smem:$0x3F9C];
	_ =	swait.ge [sflag:s4], $0x0  }
0x19: {  	s7 =	sld [smem:$0x3F9D]  }
0x1a: {  	s8 =	sadd.s32 $0xFFFFE003, lr  }
0x1b: {  	s9 =	sadd.s32 $0xFFFFFEF7, lr;
	s5 =	simm.s32 $0xFFFFFFFF;
	p2 =	slt.u32 s8, $0xFFFFF086  }
0x1c: {  	p1 =	slt.u32 s9, $0xF7A;
	s5 =	simm.s32 @!p2 $0x0  }
0x1d: {  	s5 =	simm.s32 @p1 $0x1;
	p0 =	seq.s32 s7, s2  }
0x1e: {  	s7 =	smul.u32 @!p0 $0xF7A, s2;
	p2 =	seq.s32 @!p0 s5, $0x0  }
0x1f: {  	s9 =	smul.u32 $0xF7A, s1;
	s8 =	simm.s32 @!p0 $0x1BF5;
	p2 =	por !p2, p0  }
0x20: {  	[sflag:s8] =	ssyncset.s32 @!p0 $0xFFFFF086;
	s6 =	sadd.s32 @!p0 s3, s7;
	s7 =	simm.s32 @!p0 $0x108  }
0x21: {  	s3 =	sadd.s32 s3, s9;
	s6 =	sadd.s32 @!p0 $0x88, s6;
	s7 =	simm.s32 @p2 $0x1082  }
0x22: {  	[simem:s7], [sflag:s8] =	dma.local @!p0 [hbm:s6], $0xF7A  }
0x23: {  	s9 =	sor.u32 $0xD0000000, s2;
	s6 =	simm.s32 $0x108;
	_ =	swait.ge @!p0 [sflag:s8], $0x0  }
0x24: {  	s3 =	sadd.s32 $0x88, s3;
	s6 =	simm.s32 @!p1 $0x1082;
	[sflag:s4] =	ssyncset.s32 $0xFFFFF086  }
0x25: {  	[simem:s6], [sflag:s4] =	dma.local [hbm:s3], $0xF7A  }
0x26: {  	[smem:$0x3F9D] =	sst s1;
	(tag) =	ssettag s2;
	_ =	strace s9  }
0x27: {  	s1 =	sld [smem:$0x3FAD]  }
0x28: {  	s2 =	sld [smem:$0x3FAE]  }
0x29: {  	s4 =	sld [smem:$0x3FB0]  }
0x2a: {  	p0 =	seq.s32 s5, $0x0;
	s5 =	sld [smem:$0x3FB1]  }
0x2b: {  	s6 =	sld [smem:$0x3FB2]  }
0x2c: {  	s7 =	sld [smem:$0x3FB3]  }
0x2d: {  	s3 =	simm.s32 $0x108;
	s8 =	sld [smem:$0x3FB4]  }
0x2e: {  	s3 =	simm.s32 @!p0 $0x1082;
	s9 =	sld [smem:$0x3FB5]  }
0x2f: {  	lr =	sadd.s32 s0, s3;
	s0 =	sld [smem:$0x3FAC]  }
0x30: {  	s3 =	sld [smem:$0x3FAF]  }
0x31: {  	[smem:$0x3FB8] =	sst s10  }
0x32: {  	s10 =	sld [smem:$0x3FB6];
	_ =	sdelay $0x3  }
0x33: {  	p0 =	seq.s32 s10, $0x1;
	s10 =	sld [smem:$0x3FB8];
	_ =	sdelay $0x3  }
0x34: {  	[smem:$0x3FB8] =	sst s10  }
0x35: {  	s10 =	sld [smem:$0x3FB7];
	_ =	sdelay $0x3  }
0x36: {  	p1 =	seq.s32 s10, $0x1;
	s10 =	sld [smem:$0x3FB8];
	_ =	sdelay $0x3  }
0x37: {  	[smem:$0x3FB8] =	sst s10  }
0x38: {  	s10 =	sld [smem:$0x3FB9]  }
0x39: {  	_ = 	snop;
	(pc) =	sbr.ind lr, $3  }
0x3a: {  	_ = 	snop  }
0x3b: {  	_ = 	snop  }
0x3c: {  	p2 =	seq.s32 s10, $0x1;
	s10 =	sld [smem:$0x3FB8]  }
0x3d: {  	_ =	shalt  }
0x3e: {  	_ =	shalt  }
0x3f: {  	_ =	shalt  }
0x40: {  	_ =	shalt  }
0x41: {  	_ =	shalt  }
0x42: {  	_ =	shalt  }
0x43: {  	_ =	shalt  }
0x44: {  	_ =	shalt  }
0x45: {  	_ =	shalt  }
0x46: {  	_ =	shalt  }
0x47: {  	_ =	shalt  }
0x48: {  	_ =	shalt  }
0x49: {  	_ =	shalt  }
0x4a: {  	_ =	shalt  }
0x4b: {  	_ =	shalt  }
0x4c: {  	_ =	shalt  }
0x4d: {  	_ =	shalt  }
0x4e: {  	_ =	shalt  }
0x4f: {  	_ =	shalt  }
0x50: {  	_ =	shalt  }
0x51: {  	_ =	shalt  }
0x52: {  	_ =	shalt  }
0x53: {  	_ =	shalt  }
0x54: {  	_ =	shalt  }
0x55: {  	_ =	shalt  }
0x56: {  	_ =	shalt  }
0x57: {  	_ =	shalt  }
0x58: {  	_ =	shalt  }
0x59: {  	_ =	shalt  }
0x5a: {  	_ =	shalt  }
0x5b: {  	_ =	shalt  }
0x5c: {  	_ =	shalt  }
0x5d: {  	_ =	shalt  }
0x5e: {  	_ =	shalt  }
0x5f: {  	_ =	shalt  }
0x60: {  	_ =	shalt  }
0x61: {  	_ =	shalt  }
0x62: {  	_ =	shalt  }
0x63: {  	_ =	shalt  }
0x64: {  	_ =	shalt  }
0x65: {  	_ =	shalt  }
0x66: {  	_ =	shalt  }
0x67: {  	_ =	shalt  }
0x68: {  	_ =	shalt  }
0x69: {  	_ =	shalt  }
0x6a: {  	_ =	shalt  }
0x6b: {  	_ =	shalt  }
0x6c: {  	_ =	shalt  }
0x6d: {  	_ =	shalt  }
0x6e: {  	_ =	shalt  }
0x6f: {  	_ =	shalt  }
0x70: {  	_ =	shalt  }
0x71: {  	_ =	shalt  }
0x72: {  	_ =	shalt  }
0x73: {  	_ =	shalt  }
0x74: {  	_ =	shalt  }
0x75: {  	_ =	shalt  }
0x76: {  	_ =	shalt  }
0x77: {  	_ =	shalt  }
0x78: {  	_ =	shalt  }
0x79: {  	_ =	shalt  }
0x7a: {  	_ =	shalt  }
0x7b: {  	_ =	shalt  }
0x7c: {  	_ =	shalt  }
0x7d: {  	_ =	shalt  }
0x7e: {  	_ =	shalt  }
0x7f: {  	_ =	shalt  }
0x80: {  	_ =	shalt  }
0x81: {  	_ =	shalt  }
0x82: {  	_ =	shalt  }
0x83: {  	_ =	shalt  }
0x84: {  	_ =	shalt  }
0x85: {  	_ =	shalt  }
0x86: {  	_ =	shalt  }
0x87: {  	_ =	shalt  }
.Lfunc_end0:
.L_simem_size_0:
called_computation_lowered:
.L_overlay_start_0:
0x88: {  	s2 =	sld [smem:$0x3FD9]  }
0x89: {  	s3 =	sld [smem:$0x3FFE];
	_ =	sdelay $0x1  }
0x8a: {  	s1 =	srdreg.scid  }
0x8b: {  	s0 =	sand.u32 $0x1, s1  }
0x8c: {  	s17 =	sshll.u32 s0, $0xA;
	s2 =	sadd.s32 s3, s2  }
0x8d: {  	s2 =	sadd.s32 s2, s17  }
0x8e: {  	[smem:$0x3FC4] =	sst s2  }
0x8f: {  	_ = 	snop  }
0x90: {  	s2 =	sld [smem:$0x3FD0];
	(tm) =	ssettm $0x1  }
0x91: {  	s18 =	sld [smem:$0x3FFB];
	_ =	sdelay $0x3  }
0x92: {  	_ =	strace s18  }
0x93: {  	s3 =	sld [smem:$0x3FFC];
	_ =	sdelay $0x3  }
0x94: {  	_ =	strace s3  }
0x95: {  	s3 =	sld [smem:$0x3FFD];
	_ =	sdelay $0x3  }
0x96: {  	_ =	strace s3  }
0x97: {  	_ =	strace $0x8FFFFFFF  }
0x98: {  	s19 =	sld [smem:$0x3FDB];
	_ =	sdelay $0x1  }
0x99: {  	s4 =	simm.s32 $_scs_section_size  }
0x9a: {  	s5 =	simm.s32 $_size__tile_overlayer_lowered;
	s6 =	simm.s32 $_tile_overlayer_lowered  }
0x9b: {  	s22 =	simm.s32 $0x1BFF;
	s21 =	sshll.u32 s6, $0x1;
	s3 =	sadd.s32 s4, s19  }
0x9c: {  	s7 =	simm.s32 $0x0;
	s20 =	sshll.u32 s5, $0x1;
	s5 =	sadd.s32 s21, s3  }
0x9d: {  	[timem:s7], [sflag:s22] =	dma.local [hbm:s5], s20  }
0x9e: {  	_ =	swait.ge [sflag:s22], s20  }
0x9f: {  	s4 =	ssub.s32 $0x0, s20;
	[sflag:s22] =	ssyncset.done $0x0  }
0xa0: {  	[sflag:s22] =	ssyncadd.s32 s4;
	_ =	sdelay $0x1  }
0xa1: {  	s23 =	simm.s32 $0x1B8B  }
0xa2: {  	_ =	swait.ge [sflag:s23], $0x1  }
0xa3: {  	[sflag:s23] =	ssyncset.done $0x0  }
0xa4: {  	s25 =	simm.s32 $0x1B8E;
	s24 =	sld [smem:$0x3FFE];
	[sflag:s23] =	ssyncadd.s32 $0xFFFFFFFF  }
0xa5: {  	s26 =	simm.s32 $execute0_lowered;
	[smem:$0x3FD2] =	sst s25  }
0xa6: {  	s5 =	sshll.u32 s26, $0x1;
	_ =	strace $0x80000046;
	[dreg:$0x1] =	wrdreg $0xFFFFFFFF  }
0xa7: {  	s28 =	simm.s32 $_size_execute0_lowered;
	s3 =	sadd.s32 s3, s5;
	[dreg:$0x0] =	wrdreg $0x0  }
0xa8: {  	s5 =	sshll.u32 s28, $0x1;
	[dreg:$0x2] =	wrdreg s3  }
0xa9: {  	[dreg:$0x3] =	wrdreg s5  }
0xaa: {  	[dreg:$0x4] =	wrdreg $0xC0  }
0xab: {  	_ =	task [dreg:s7], $0x5FFFF  }
0xac: {  	[dreg:$0x1] =	wrdreg $0xFFFFFFFF  }
0xad: {  	[dreg:$0x0] =	wrdreg $0x60  }
0xae: {  	[dreg:$0x2] =	wrdreg s24  }
0xaf: {  	[dreg:$0x3] =	wrdreg s2  }
0xb0: {  	[dreg:$0x4] =	wrdreg $0x9  }
0xb1: {  	_ =	task.clear_ibuf [dreg:s7], $0x5FFFF;
	_ =	strace $0x90000046  }
0xb2: {  	s29 =	simm.s32 $0x9;
	_ =	strace $0x80000048  }
0xb3: {  	_ =	swait.ge [sflag:s29], $0x1  }
0xb4: {  	[sflag:s29] =	ssyncadd.s32 $0xFFFFFFFF  }
0xb5: {  	_ =	strace $0x90000048  }
0xb6: {  	_ =	sfence  }
0xb7: {  	s30 =	sld [smem:$0x0];
	_ =	sdelay $0x2  }
0xb8: {  	s31 =	sshll.u32 s1, $0xD;
	s1 =	sshrl.u32 s1, $0x2  }
0xb9: {  	s3 =	sand.u32 $0x4000, s31;
	s1 =	sadd.s32 s1, s30  }
0xba: {  	s0 =	sor.u32 s3, s0;
	s1 =	sshll.u32 s1, $0x11  }
0xbb: {  	s0 =	sor.u32 s1, s0  }
0xbc: {  	s0 =	sadd.s32 $0x8F2B, s0  }
0xbd: {  	[sflag:s0] =	ssyncadd.remote.s32 $0x1  }
0xbe: {  	_ =	sfence.sel $0xFFFF  }
0xbf: {  	[dreg:$0x0] =	wrdreg $0xFFFFFFFF;
	(pc) =	sbr.abs _section_cstart, $3  }
0xc0: {  	[dreg:$0x1] =	wrdreg $0xFFFFFFFF  }
0xc1: {  	_ =	task.clear_ibuf [dreg:s7], $0x2FFFF;
	_ =	strace $0x9FFFFFFF  }
0xc2: {  	(tm) =	ssettm $0x7FFFFFFF  }
0xc3: {  	_ =	shalt  }
tec
execute0_lowered:
.L_overlay_start_1:
0x0: {  	(tag) =	ssettag $0x1  }
0x1: {  	s0 =	rddreg [dreg:$0x0];
	s1 =	srdreg.scid  }
0x2: {  	s2 =	stileid.u32;
	s5 =	rddreg [dreg:$0x1]  }
0x3: {  	s7 =	simm.s32 $0x7;
	s8 =	simm.s32 $0x80;
	s9 =	simm.s32 $0x48  }
0x4: {  	s15 =	simm.s32 $0x190;
	s16 =	simm.s32 $0x3200;
	s17 =	simm.s32 $0x210  }
0x5: {  	s18 =	simm.s32 $0x3A00;
	s19 =	simm.s32 $0x258;
	s20 =	simm.s32 $0x3E80  }
0x6: {  	s21 =	simm.s32 $0x2D8;
	s22 =	simm.s32 $0x4680;
	s23 =	simm.s32 $0x320  }
0x7: {  	s24 =	simm.s32 $0x4B00;
	s25 =	simm.s32 $0x3A0;
	s26 =	simm.s32 $0x5300  }
0x8: {  	s28 =	simm.s32 $0x6400;
	s1 =	sand.u32 $0x1, s1;
	s3 =	sshll.u32 s2, $0x1  }
0x9: {  	s29 =	simm.s32 $0x0;
	s2 =	simm.s32 $0x0;
	s6 =	sor.u32 s1, s3  }
0xa: {  	[smem:$0x7FF] =	sst s2;
	s1 =	ssub.s32 $0x2, s1;
	s3 =	smul.u32 $0x320, s6  }
0xb: {  	_ =	strace $0x80000047;
	s30 =	sshrl.u32 s1, $0x1;
	s31 =	sshll.u32 s6, $0x6  }
0xc: {  	s4 =	sadd.s32 s3, s0;
	s3 =	sadd.s32 $0x7200, s0;
	s0 =	ssub.s32 s1, s30  }
0xd: {  	s5 =	sadd.s32 s5, s31;
	s4 =	sadd.s32 $0xE00, s4;
	s6 =	smax.u32 s0, $0x1  }
.LBB2_1:
0xe: {  	[tilespmem:s2], [sflag:$0x7] =	stream.linear.gather [hbm4b:s4+s2], $0x1900, $0x38;
	[tilespmem:$0x6600] =	vst v63  }
0xf: {  	_ =	swait.ge [sflag:s7], $0x1900  }
0x10: {  	[sflag:s7] =	ssyncset.done $0x0  }
0x11: {  	s30 =	simm.s32 $0x1900;
	[sflag:s7] =	ssyncadd.s32 $0xFFFFE700  }
0x12: {  	[tilespmem:s30], [sflag:$0x1] =	stream.indirect.gather [hbm4b:s3+s8], $0x10, s2, s8, $0xb8;
	[tilespmem:$0x6600] =	vst v63  }
0x13: {  	s0 =	simm.s32 $0x2100  }
0x14: {  	[tilespmem:s0], [sflag:$0x1] =	stream.indirect.gather [hbm4b:s3+s9], $0x10, s8, s9, $0xb8;
	[tilespmem:$0x6600] =	vst v63  }
0x15: {  	s12 =	simm.s32 $0xC8;
	s1 =	simm.s32 $0x2580  }
0x16: {  	[tilespmem:s1], [sflag:$0x2] =	stream.indirect.gather [hbm4b:s3+s8], $0x10, s12, s8, $0xb8;
	[tilespmem:$0x6600] =	vst v63  }
0x17: {  	s13 =	simm.s32 $0x148;
	s14 =	simm.s32 $0x2D80  }
0x18: {  	[tilespmem:s14], [sflag:$0x2] =	stream.indirect.gather [hbm4b:s3+s9], $0x10, s13, s9, $0xb8;
	[tilespmem:$0x6600] =	vst v63  }
0x19: {  	_ = 	snop  }
0x1a: {  	[tilespmem:s16], [sflag:$0x3] =	stream.indirect.gather [hbm4b:s3+s8], $0x10, s15, s8, $0xb8;
	[tilespmem:$0x6600] =	vst v63  }
0x1b: {  	_ = 	snop  }
0x1c: {  	[tilespmem:s18], [sflag:$0x3] =	stream.indirect.gather [hbm4b:s3+s9], $0x10, s17, s9, $0xb8;
	[tilespmem:$0x6600] =	vst v63  }
0x1d: {  	_ = 	snop  }
0x1e: {  	[tilespmem:s20], [sflag:$0x4] =	stream.indirect.gather [hbm4b:s3+s8], $0x10, s19, s8, $0xb8;
	[tilespmem:$0x6600] =	vst v63  }
0x1f: {  	_ = 	snop  }
0x20: {  	[tilespmem:s22], [sflag:$0x4] =	stream.indirect.gather [hbm4b:s3+s9], $0x10, s21, s9, $0xb8;
	[tilespmem:$0x6600] =	vst v63  }
0x21: {  	_ = 	snop  }
0x22: {  	[tilespmem:s24], [sflag:$0x5] =	stream.indirect.gather [hbm4b:s3+s8], $0x10, s23, s8, $0xb8;
	[tilespmem:$0x6600] =	vst v63  }
0x23: {  	s31 =	simm.s32 $0x0  }
0x24: {  	[tilespmem:s26], [sflag:$0x5] =	stream.indirect.gather [hbm4b:s3+s9], $0x10, s25, s9, $0xb8;
	[tilespmem:$0x6600] =	vst v63  }
.LBB2_2:
0x25: {  	p0 =	sgt.u32 s31, $0x1A  }
0x26: {  	s0 =	sadd.s32 @!p0 $0x5, s31  }
0x27: {  	s1 =	smul.u32 @!p0 $0xAB, s0;
	_ =	sdelay $0x1  }
0x28: {  	s1 =	sshrl.u32 @!p0 s1, $0xA  }
0x29: {  	s10 =	smul.u32 $0xAB, s31;
	s1 =	sand.u32 @!p0 $0x3F, s1  }
0x2a: {  	s1 =	smul.u32 @!p0 $0x6, s1  }
0x2b: {  	s10 =	sshrl.u32 s10, $0xA  }
0x2c: {  	s11 =	smulhi.u32 $0xAAAAAAAB, s31;
	s10 =	sand.u32 $0x3F, s10;
	s1 =	ssub.s32 @!p0 s0, s1  }
0x2d: {  	s10 =	smul.u32 $0x6, s10;
	s1 =	sand.u32 @!p0 $0xFF, s1  }
0x2e: {  	s14 =	simm.s32 @!p0 $0x80;
	s12 =	smul.u32 @!p0 $0x3200, s1  }
0x2f: {  	s11 =	sshrl.u32 s11, $0x2;
	s10 =	ssub.s32 s31, s10;
	s0 =	smul.u32 @!p0 $0x320, s0  }
0x30: {  	s11 =	smul.u32 $0xFFFED400, s11;
	s10 =	sand.u32 $0xFF, s10;
	s12 =	sshrl.u32 @!p0 s12, $0x2  }
0x31: {  	s0 =	sshra.s32 @!p0 s0, $0x2;
	s1 =	sadd.s32 @!p0 $0x1, s1;
	s13 =	sadd.s32 @!p0 $0x1900, s12  }
0x32: {  	[tilespmem:s13], [sflag:s1] =	stream.indirect.gather @!p0 [hbm4b:s3+s14], $0x10, s0, s14, $0xb8;
	[tilespmem:$0x6600] =	vst v63  }
0x33: {  	s12 =	sadd.s32 @!p0 $0x2100, s12;
	s0 =	sadd.s32 @!p0 $0x80, s0;
	s13 =	simm.s32 @!p0 $0x48  }
0x34: {  	[tilespmem:s12], [sflag:s1] =	stream.indirect.gather @!p0 [hbm4b:s3+s13], $0x10, s0, s13, $0xb8;
	[tilespmem:$0x6600] =	vst v63  }
0x35: {  	s12 =	sshra.s32 s11, $0x2;
	s13 =	sadd.s32 $0x1, s10  }
0x36: {  	s0 =	sadd.s32 s12, s30;
	_ =	swait.ge [sflag:s13], $0x800  }
0x37: {  	[sflag:s13] =	ssyncset.done $0x0;
	v0 =	vmov s0  }
0x38: {  	[sflag:s13] =	ssyncadd.s32 $0xFFFFF800  }
0x39: {  	_ =	swait.ge [sflag:s13], $0x480  }
0x3a: {  	[sflag:s13] =	ssyncset.done $0x0  }
0x3b: {  	s14 =	simm.s32 $0x0;
	[sflag:s13] =	ssyncadd.s32 $0xFFFFFB80  }
0x3c: {  	v1 =	vld.idx.msk [tilespmem:v0+s14+$0x0 ss:$0x1], $0xffff;
	_ =	sdelay $0x1  }
0x3d: {  	v2 =	vld.idx.msk [tilespmem:v0+s14+$0x10 ss:$0x1], $0xffff;
	_ =	sdelay $0x1  }
0x3e: {  	v3 =	vimm.f32 $0.0e+00;
	v4 =	vld.idx.msk [tilespmem:v0+s14+$0x20 ss:$0x1], $0xffff  }
0x3f: {  	v1 =	vadd.f32 v1, v3  }
0x40: {  	v3 =	vld.idx.msk [tilespmem:v0+s14+$0x30 ss:$0x1], $0xffff  }
0x41: {  	v1 =	vadd.f32 v2, v1  }
0x42: {  	v5 =	vld.idx.msk [tilespmem:v0+s14+$0x40 ss:$0x1], $0xffff  }
0x43: {  	v2 =	vadd.f32 v4, v1  }
0x44: {  	v1 =	vld.idx.msk [tilespmem:v0+s14+$0x50 ss:$0x1], $0xffff  }
0x45: {  	v3 =	vadd.f32 v3, v2  }
0x46: {  	v2 =	vld.idx.msk [tilespmem:v0+s14+$0x60 ss:$0x1], $0xffff  }
0x47: {  	v4 =	vadd.f32 v5, v3  }
0x48: {  	s1 =	simm.s32 $0x80;
	s0 =	simm.s32 $0x400;
	v3 =	vld.idx.msk [tilespmem:v0+s14+$0x70 ss:$0x1], $0xffff  }
.LBB2_3:
0x49: {  	p0 =	sne.s32 s0, $0x3000;
	v5 =	vld.idx.msk [tilespmem:v0+s1+$0x0 ss:$0x1], $0xffff;
	v1 =	vadd.f32 v1, v4;
	_ =	sdelay $0x1  }
0x4a: {  	v4 =	vld.idx.msk [tilespmem:v0+s1+$0x10 ss:$0x1], $0xffff;
	v1 =	vadd.f32 v2, v1;
	_ =	sdelay $0x1  }
0x4b: {  	v2 =	vld.idx.msk [tilespmem:v0+s1+$0x20 ss:$0x1], $0xffff;
	v1 =	vadd.f32 v3, v1;
	_ =	sdelay $0x1  }
0x4c: {  	v1 =	vadd.f32 v5, v1;
	v3 =	vld.idx.msk [tilespmem:v0+s1+$0x30 ss:$0x1], $0xffff;
	_ =	sdelay $0x1  }
0x4d: {  	v1 =	vadd.f32 v4, v1;
	v4 =	vld.idx.msk [tilespmem:v0+s1+$0x40 ss:$0x1], $0xffff;
	_ =	sdelay $0x1  }
0x4e: {  	v2 =	vadd.f32 v2, v1;
	v1 =	vld.idx.msk [tilespmem:v0+s1+$0x50 ss:$0x1], $0xffff  }
.Ltmp0:
0x4f: {  	(pc) =	sbr.rel @p0 .LBB2_3-.Ltmp0, $3  }
0x50: {  	v3 =	vadd.f32 v3, v2;
	v2 =	vld.idx.msk [tilespmem:v0+s1+$0x60 ss:$0x1], $0xffff;
	_ =	sdelay $0x1  }
0x51: {  	v4 =	vadd.f32 v4, v3;
	v3 =	vld.idx.msk [tilespmem:v0+s1+$0x70 ss:$0x1], $0xffff  }
0x52: {  	s1 =	sshra.s32 s0, $0x2;
	s0 =	sadd.s32 $0x200, s0  }
0x53: {  	_ =	sdelay $0x2  }
0x54: {  	v1 =	vadd.f32 v1, v4  }
0x55: {  	v56 =	vld.idx.msk [tilespmem:v0+s1+$0x0 ss:$0x1], $0xffff  }
0x56: {  	v1 =	vadd.f32 v2, v1  }
0x57: {  	v57 =	vld.idx.msk [tilespmem:v0+s1+$0x10 ss:$0x1], $0xffff  }
0x58: {  	v1 =	vadd.f32 v3, v1  }
0x59: {  	v58 =	vld.idx.msk [tilespmem:v0+s1+$0x20 ss:$0x1], $0xffff  }
0x5a: {  	v1 =	vadd.f32 v56, v1  }
0x5b: {  	v59 =	vld.idx.msk [tilespmem:v0+s1+$0x30 ss:$0x1], $0xffff  }
0x5c: {  	v1 =	vadd.f32 v57, v1  }
0x5d: {  	v60 =	vld.idx.msk [tilespmem:v0+s1+$0x40 ss:$0x1], $0xffff  }
0x5e: {  	v1 =	vadd.f32 v58, v1  }
0x5f: {  	v61 =	vld.idx.msk [tilespmem:v0+s1+$0x50 ss:$0x1], $0xffff  }
0x60: {  	v1 =	vadd.f32 v59, v1  }
0x61: {  	v62 =	vld.idx.msk [tilespmem:v0+s1+$0x60 ss:$0x1], $0xffff  }
0x62: {  	v1 =	vadd.f32 v60, v1  }
0x63: {  	v63 =	vld.idx.msk [tilespmem:v0+s1+$0x70 ss:$0x1], $0xffff  }
0x64: {  	v1 =	vadd.f32 v61, v1;
	_ =	sdelay $0x1  }
0x65: {  	s0 =	sshll.u32 s31, $0x4;
	s31 =	sadd.s32 $0x1, s31;
	v1 =	vadd.f32 v62, v1  }
0x66: {  	p0 =	sne.s32 s31, $0x20  }
.Ltmp1:
0x67: {  	v0 =	vadd.f32 v63, v1;
	(pc) =	sbr.rel @p0 .LBB2_2-.Ltmp1, $4  }
0x68: {  	_ = 	snop  }
0x69: {  	v0 =	vmul.f32 $4.999999890e-03, v0  }
0x6a: {  	s0 =	sand.u32 $0x3FFFFFF0, s0  }
0x6b: {  	s30 =	sadd.s32 $0xC80, s30;
	[tilespmem:s0+$0x6400] =	vst v0  }
0x6c: {  	s29 =	sadd.s32 $0x1, s29  }
0x6d: {  	p0 =	sne.s32 s29, s6  }
.Ltmp2:
0x6e: {  	_ = 	snop;
	(pc) =	sbr.rel @p0 .LBB2_1-.Ltmp2, $4  }
0x6f: {  	[hbm4b:s5+s2] =	stream.linear.scatter [tilespmem:s28], [sflag:$0x7], $0x200, $0x38;
	[tilespmem:$0x6600] =	vst v63  }
0x70: {  	_ =	swait.ge [sflag:s7], $0x200  }
0x71: {  	[sflag:s7] =	ssyncset.done $0x0  }
0x72: {  	[sflag:s7] =	ssyncadd.s32 $0xFFFFFE00  }
0x73: {  	_ =	sfence.sel $0x180000  }
0x74: {  	[bflag:$0x0] =	sbarrier.arrive $0xFFFF  }
0x75: {  	_ =	strace $0x90000047  }
0x76: {  	s0 =	stileid.u32;
	[bflag:$0x2] =	sbarrier.arrive $0xFFFF  }
0x77: {  	p0 =	sne.s32 s0, $0x0;
	s0 =	rddreg [dreg:$0x2]  }
0x78: {  	s0 =	sadd.s32 @!p0 $0x100000, s0  }
0x79: {  	[sflag:s0] =	ssyncadd.tile.s32 @!p0 $0x1;
	_ =	shalt  }
.Lfunc_end2:
_tile_overlayer_lowered:
.L_overlay_start_2:
0x7a: {  	(tag) =	ssettag $0x2  }
0x7b: {  	s0 =	rddreg [dreg:$0x0];
	s2 =	stileid.u32  }
0x7c: {  	s1 =	rddreg [dreg:$0x1];
	p0 =	sne.s32 s2, $0x0  }
0x7d: {  	s3 =	rddreg [dreg:$0x2];
	[bflag:$0x3] =	sbarrier.arrive $0xFFFF;
	s2 =	simm.s32 @!p0 $0x1C07  }
0x7e: {  	[timem:s3], [sflag:s2] =	dma.local @!p0 [hbm:s0], s1  }
0x7f: {  	s0 =	simm.s32 @!p0 $0x7  }
0x80: {  	_ =	swait.ge @!p0 [sflag:s0], s1  }
0x81: {  	s1 =	ssub.s32 @!p0 $0x0, s1;
	[sflag:s0] =	ssyncset.done @!p0 $0x0  }
0x82: {  	[sflag:s0] =	ssyncadd.s32 @!p0 s1  }
0x83: {  	[bflag:$0x3] =	sbarrier.arrive $0xFFFF  }
0x84: {  	_ =	shalt  }

</sc_bundles>
